<compile_context>
chip_gen: v7x
topology: tpu7x:2x2x1
jax: 0.10.2.dev20260603
libtpu: 0.0.44.dev20260713+nightly
codegen_flags: <defaults>
</compile_context>

<pallas_src>
import jax
import jax.numpy as jnp
from jax import lax
from jax.experimental import pallas as pl
from jax.experimental.pallas import tpu as pltpu
from jax.experimental.pallas import tpu_sc as plsc

_N = 10000
_E = 320000
_EMB = 128
_OUT_C = 32
_PAD = 144
_NC = 2
_NS = 16
_CHUNK = 64
_NCHUNK = _E // _CHUNK
_NPAIR = _NCHUNK // 2
_NQUAD = _NCHUNK // 4
_RPT = _N // _NS
_BN = 1000


def _prep_body(x_ref, llw_ref, llb_ref, lrw_ref, lrb_ref,
               arw_ref, arb_ref, aq_ref, act_ref, l_ref, rp_ref):
    xb = x_ref[...]
    lb = jnp.dot(xb, llw_ref[...].T, preferred_element_type=jnp.float32) + llb_ref[...][None, :]
    rb = jnp.dot(xb, lrw_ref[...].T, preferred_element_type=jnp.float32) + lrb_ref[...][None, :]
    l_ref[...] = lb
    nrow = xb.shape[0]
    zpad = jnp.zeros((nrow, _PAD - _EMB - 1), jnp.float32)
    for m in range(2):
        a_m = act_ref[0, m]
        ar = jnp.dot(rb, arw_ref[m].T, preferred_element_type=jnp.float32) + arb_ref[m][None, :]
        q = aq_ref[m, 0]
        esr = jnp.exp(jnp.sum(jnp.tanh(ar) * q[_OUT_C:][None, :], axis=1) * a_m)
        rp_ref[m] = jnp.concatenate(
            [rb * esr[:, None], esr[:, None], zpad], axis=1)


def _sc_body(edges_ref, rp_ref, out_ref,
             msg0, msg1, msg2, msg3, idxa, idxb, acc,
             sem_g0, sem_g1, sem_g2, sem_g3,
             sem_s0, sem_s1, sem_s2, sem_s3):
    c = lax.axis_index("c")
    sid = lax.axis_index("s")
    zero16 = jnp.zeros((16,), jnp.float32)

    def zero_msg(e, carry):
        for j in range(_PAD // 16):
            msg0[e, pl.ds(j * 16, 16)] = zero16
        return carry
    lax.fori_loop(0, _CHUNK, zero_msg, 0)

    r0 = sid * _RPT
    for k in range(_RPT // _CHUNK):
        pltpu.sync_copy(msg0, acc.at[pl.ds(r0 + k * _CHUNK, _CHUNK)])
    _rem = _RPT % _CHUNK
    pltpu.sync_copy(msg0.at[pl.ds(0, _rem)],
                    acc.at[pl.ds(r0 + _RPT - _rem, _rem)])
    plsc.subcore_barrier()

    n_quads = (_NQUAD - sid + _NS - 1) // _NS
    bufs = ((msg0, idxa, 0, sem_g0, sem_s0),
            (msg1, idxa, 1, sem_g1, sem_s1),
            (msg2, idxb, 0, sem_g2, sem_s2),
            (msg3, idxb, 1, sem_g3, sem_s3))

    def drain(k):
        msgb, idx, h, _, sem_s = bufs[k]
        pltpu.make_async_copy(msgb, acc.at[idx.at[0, 0, h, 0]], sem_s).wait()

    def issue_half(p, idx, bk0):
        pltpu.sync_copy(edges_ref.at[pl.ds(c, 1), pl.ds(p, 1)], idx)
        descs = []
        for k in (bk0, bk0 + 1):
            msgb, _, h, sem_g, _ = bufs[k]
            descs.append(
                pltpu.async_copy(rp_ref.at[idx.at[0, 0, h, 1]], msgb, sem_g))
        return descs

    def quad(i, carry):
        q = sid + i * _NS

        @pl.when(i > 0)
        def _():
            drain(0)
            drain(1)
        ga = issue_half(2 * q, idxa, 0)

        @pl.when(i > 0)
        def _():
            drain(2)
            drain(3)
        gb = issue_half(2 * q + 1, idxb, 2)

        for k, desc in ((0, ga[0]), (1, ga[1]), (2, gb[0]), (3, gb[1])):
            msgb, idx, h, _, sem_s = bufs[k]
            desc.wait()
            pltpu.async_copy(msgb, acc.at[idx.at[0, 0, h, 0]], sem_s, add=True)
        return carry
    lax.fori_loop(0, n_quads, quad, 0)
    for k in range(4):
        drain(k)

    plsc.subcore_barrier()
    obase = c * _N + r0
    for k in range(_RPT // _CHUNK):
        pltpu.sync_copy(acc.at[pl.ds(r0 + k * _CHUNK, _CHUNK)],
                        out_ref.at[pl.ds(obase + k * _CHUNK, _CHUNK)])
    pltpu.sync_copy(acc.at[pl.ds(r0 + _RPT - _rem, _rem)],
                    out_ref.at[pl.ds(obase + _RPT - _rem, _rem)])


def _combine_body(acc_ref, l_ref, w_ref, o_ref):
    a = acc_ref[...]
    lb = l_ref[...]
    w = w_ref[...][0]
    rel0 = a[0, :, :_EMB] / (a[0, :, _EMB:_EMB + 1] + 1e-16)
    rel1 = a[1, :, :_EMB] / (a[1, :, _EMB:_EMB + 1] + 1e-16)
    t0 = jnp.sum(rel0 * w[None, :], axis=1)
    t1 = jnp.sum(rel1 * w[None, :], axis=1)
    t2 = jnp.sum(lb * w[None, :], axis=1)
    mx = jnp.maximum(jnp.maximum(t0, t1), t2)
    e0 = jnp.exp(t0 - mx)
    e1 = jnp.exp(t1 - mx)
    e2 = jnp.exp(t2 - mx)
    den = e0 + e1 + e2
    o = (e0[:, None] * rel0 + e1[:, None] * rel1 + e2[:, None] * lb) / den[:, None]
    o_ref[...] = jnp.maximum(o, 0.0)


def _full_spec(shape):
    n = len(shape)
    return pl.BlockSpec(shape, lambda i, _n=n: (0,) * _n)


def _run_prep(x_A, lin_l_W, lin_l_b, lin_r_W, lin_r_b,
              attn_r_W, attn_r_b, attn_q_W, alpha_act, interpret=False):
    return pl.pallas_call(
        _prep_body,
        grid=(_N // _BN,),
        in_specs=[
            pl.BlockSpec((_BN, _EMB), lambda i: (i, 0)),
            _full_spec((_EMB, _EMB)),
            _full_spec((_EMB,)),
            _full_spec((_EMB, _EMB)),
            _full_spec((_EMB,)),
            _full_spec((2, _OUT_C, _EMB)),
            _full_spec((2, _OUT_C)),
            _full_spec((2, 1, 2 * _OUT_C)),
            pl.BlockSpec(memory_space=pltpu.SMEM),
        ],
        out_specs=[
            pl.BlockSpec((_BN, _EMB), lambda i: (i, 0)),
            pl.BlockSpec((2, _BN, _PAD), lambda i: (0, i, 0)),
        ],
        out_shape=[
            jax.ShapeDtypeStruct((_N, _EMB), jnp.float32),
            jax.ShapeDtypeStruct((2, _N, _PAD), jnp.float32),
        ],
        interpret=interpret,
    )(x_A, lin_l_W, lin_l_b, lin_r_W, lin_r_b,
      attn_r_W, attn_r_b, attn_q_W, alpha_act.reshape(1, 2))


def _run_sc(edges5, rp2):
    mesh = plsc.VectorSubcoreMesh(core_axis_name="c", subcore_axis_name="s",
                                  num_cores=_NC, num_subcores=_NS)
    return pl.kernel(
        _sc_body,
        out_type=jax.ShapeDtypeStruct((2 * _N, _PAD), jnp.float32),
        mesh=mesh,
        scratch_types=(
            [pltpu.VMEM((_CHUNK, _PAD), jnp.float32)] * 4
            + [pltpu.VMEM((1, 1, 2, 2, _CHUNK), jnp.int32)] * 2
            + [pltpu.VMEM_SHARED((_N, _PAD), jnp.float32)]
            + [pltpu.SemaphoreType.DMA] * 8
        ),
        compiler_params=pltpu.CompilerParams(use_tc_tiling_on_sc=False,
                                             needs_layout_passes=False),
    )(edges5, rp2)


def _run_combine(acc3, l, conv_W, interpret=False):
    return pl.pallas_call(
        _combine_body,
        grid=(_N // _BN,),
        in_specs=[
            pl.BlockSpec((2, _BN, _PAD), lambda i: (0, i, 0)),
            pl.BlockSpec((_BN, _EMB), lambda i: (i, 0)),
            _full_spec((1, _EMB)),
        ],
        out_specs=pl.BlockSpec((_BN, _EMB), lambda i: (i, 0)),
        out_shape=jax.ShapeDtypeStruct((_N, _EMB), jnp.float32),
        interpret=interpret,
    )(acc3, l, conv_W)


def _pack_edges(edge_index_r0, edge_index_r1):
    rows = []
    for m, ei in enumerate((edge_index_r0, edge_index_r1)):
        src = ei[0].reshape(_NCHUNK, 1, _CHUNK)
        dst = (ei[1] + m * _N).reshape(_NCHUNK, 1, _CHUNK)
        rows.append(jnp.concatenate([src, dst], axis=1))
    return jnp.stack(rows).reshape(2, _NPAIR, 2, 2, _CHUNK)


def kernel(x_A, edge_index_r0, edge_index_r1, global_node_idx_A, lin_l_W,
           lin_l_b, lin_r_W, lin_r_b, attn_l_W, attn_l_b, attn_r_W, attn_r_b,
           attn_q_W, conv_W, conv_b, alpha_act):
    l, rp2 = _run_prep(x_A, lin_l_W, lin_l_b, lin_r_W, lin_r_b,
                       attn_r_W, attn_r_b, attn_q_W, alpha_act)
    edges5 = _pack_edges(edge_index_r0, edge_index_r1)
    acc = _run_sc(edges5, rp2.reshape(2 * _N, _PAD))
    acc3 = acc.reshape(2, _N, _PAD)
    return _run_combine(acc3, l, conv_W)

# --- scband reference (transcript-rebuilt; emitter-appended) ---
"""Pipeline reference for scband-latte-80917183857182 (READ-ONLY COPY).

The authoritative reference and input builder live on the scoring server;
editing this copy changes nothing except your own understanding.
"""

import jax, jax.numpy as jnp
import numpy as np

N = 10000
D_FEAT = 128
EMB = 128
HEADS = 4
OUT_C = EMB // HEADS
E = 320000
N_META = 2

def _glorot(key, shape):
    fan_out, fan_in = shape[-2], shape[-1]
    limit = float(np.sqrt(6.0 / (fan_in + fan_out)))
    return jax.random.uniform(key, shape, minval=-limit, maxval=limit, dtype=jnp.float32)

def setup_inputs(seed: int = 0):
    key = jax.random.key(seed)
    ks = jax.random.split(key, 16)
    inp = {}
    inp['x_A'] = jax.random.normal(ks[0], (N, D_FEAT), dtype=jnp.float32)
    inp['edge_index_r0'] = jax.random.randint(ks[1], (2, E), 0, N, dtype=jnp.int32)
    inp['edge_index_r1'] = jax.random.randint(ks[2], (2, E), 0, N, dtype=jnp.int32)
    inp['global_node_idx_A'] = jnp.arange(N, dtype=jnp.int32)
    inp['lin_l_W'] = _glorot(ks[3], (EMB, D_FEAT))
    inp['lin_l_b'] = jnp.zeros((EMB,), jnp.float32)
    inp['lin_r_W'] = _glorot(ks[4], (EMB, D_FEAT))
    inp['lin_r_b'] = jnp.zeros((EMB,), jnp.float32)
    inp['attn_l_W'] = _glorot(ks[5], (N_META, OUT_C, EMB))
    inp['attn_l_b'] = jnp.zeros((N_META, OUT_C), jnp.float32)
    inp['attn_r_W'] = _glorot(ks[6], (N_META, OUT_C, EMB))
    inp['attn_r_b'] = jnp.zeros((N_META, OUT_C), jnp.float32)
    inp['attn_q_W'] = _glorot(ks[7], (N_META, 1, 2 * OUT_C))
    inp['conv_W'] = _glorot(ks[8], (1, EMB))
    inp['conv_b'] = jnp.zeros((1,), jnp.float32)
    inp['alpha_act'] = jnp.ones((N_META,), jnp.float32)
    return inp

def reference(x_A, edge_index_r0, edge_index_r1, global_node_idx_A, lin_l_W, lin_l_b, lin_r_W, lin_r_b, attn_l_W, attn_l_b, attn_r_W, attn_r_b, attn_q_W, conv_W, conv_b, alpha_act):
    n = x_A.shape[0]
    # get_h_dict: left/right linear projections (first=True so x_r = x_l)
    l = x_A @ lin_l_W.T + lin_l_b
    r = x_A @ lin_r_W.T + lin_r_b
    rel_embs = []
    for m, ei in enumerate([edge_index_r0, edge_index_r1]):
        src, dst = ei[0], ei[1]
        # get_alphas: per-metapath attention projections
        al = l @ attn_l_W[m].T + attn_l_b[m]
        ar = r @ attn_r_W[m].T + attn_r_b[m]
        # message: attn_q = Sequential(Tanh, Linear(2*out_c, 1, bias=False)), then sharpening
        score = jnp.tanh(jnp.concatenate([al[src], ar[dst]], axis=1)) @ attn_q_W[m].T
        score = score[:, 0] * alpha_act[m]
        # pyg-style softmax over incoming edges grouped by aggregation node (flow=target_to_source -> index = edge_index[0])
        smax = jax.ops.segment_max(score, src, num_segments=n)
        ex = jnp.exp(score - smax[src])
        denom = jax.ops.segment_sum(ex, src, num_segments=n)
        alpha = ex / (denom[src] + 1e-16)
        # aggr='add' of alpha-weighted neighbor (right) embeddings
        msg = r[dst] * alpha[:, None]
        rel_embs.append(jax.ops.segment_sum(msg, src, num_segments=n))
    # stack relation embeddings; last slot is the node's own left embedding
    out = jnp.stack(rel_embs + [l], axis=1)  # [N, n_rel+1, EMB]
    # relation-level attention: conv (Linear EMB->1) + softmax over relations + bmm
    beta = jax.nn.softmax(out @ conv_W.T + conv_b, axis=1)  # [N, n_rel+1, 1]
    out = jnp.sum(out * beta, axis=1)  # == bmm(out.permute(0,2,1), beta).squeeze(-1)
    return jax.nn.relu(out)

if __name__ == "__main__":
    import jax
    _d = setup_inputs()
    print(jax.jit(kernel)(*tuple(_d.values())))

</pallas_src>

<mosaic_0001>
#map = affine_map<(d0, d1) -> (0, 0, 0, 0, 0)>
#map1 = affine_map<(d0, d1) -> (0, 0)>
module attributes {stable_mosaic.version = 14 : i64} {
  func.func @_sc_body(%arg0: i32, %arg1: i32, %arg2: memref<2x2500x2x2x64xi32, #tpu.memory_space<hbm>>, %arg3: memref<20000x144xf32, #tpu.memory_space<hbm>>, %arg4: memref<20000x144xf32, #tpu.memory_space<hbm>>, %arg5: memref<64x144xf32, #tpu.memory_space<vmem>>, %arg6: memref<64x144xf32, #tpu.memory_space<vmem>>, %arg7: memref<64x144xf32, #tpu.memory_space<vmem>>, %arg8: memref<64x144xf32, #tpu.memory_space<vmem>>, %arg9: memref<1x1x2x2x64xi32, #tpu.memory_space<vmem>>, %arg10: memref<1x1x2x2x64xi32, #tpu.memory_space<vmem>>, %arg11: memref<10000x144xf32, #tpu.memory_space<vmem_shared>>, %arg12: memref<!tpu.dma_semaphore, #tpu.memory_space<semaphore_mem>>, %arg13: memref<!tpu.dma_semaphore, #tpu.memory_space<semaphore_mem>>, %arg14: memref<!tpu.dma_semaphore, #tpu.memory_space<semaphore_mem>>, %arg15: memref<!tpu.dma_semaphore, #tpu.memory_space<semaphore_mem>>, %arg16: memref<!tpu.dma_semaphore, #tpu.memory_space<semaphore_mem>>, %arg17: memref<!tpu.dma_semaphore, #tpu.memory_space<semaphore_mem>>, %arg18: memref<!tpu.dma_semaphore, #tpu.memory_space<semaphore_mem>>, %arg19: memref<!tpu.dma_semaphore, #tpu.memory_space<semaphore_mem>>) attributes {dimension_semantics = [#tpu.dimension_semantics<core_parallel>, #tpu.dimension_semantics<subcore_parallel>], iteration_bounds = array<i64: 2, 16>, scalar_prefetch = 0 : i64, scratch_operands = 15 : i64, tpu.core_type = #tpu.core_type<sc_vector_subcore>, window_params = [{transform_indices = #map}, {transform_indices = #map1}, {transform_indices = #map1}]} {
    %broadcast_in_dim3A = arith.constant 0.000000e+00 : f32
    %broadcast_in_dim3A_0 = vector.broadcast %broadcast_in_dim3A : f32 to vector<16xf32>
    %scan3A = arith.constant 0 : i32
    %scan3A_1 = arith.constant 0 : i32
    %scan3A_2 = arith.constant 64 : i32
    %scan3A_3 = arith.addi %scan3A_1, %scan3A_2 : i32
    %scan3A_4 = arith.constant 1 : i32
    scf.for %scan3A_146 = %scan3A_1 to %scan3A_3 step %scan3A_4  : i32 {
      %swap3A = arith.index_cast %scan3A_146 : i32 to index
      %swap3A_147 = arith.constant 0 : index
      %swap3A_148 = tpu.vector_load %arg5[%swap3A, %swap3A_147] {strides = array<i32>} : memref<64x144xf32, #tpu.memory_space<vmem>>, vector<16xf32>,
      tpu.vector_store %arg5[%swap3A, %swap3A_147], %broadcast_in_dim3A_0 {strides = array<i32>} : memref<64x144xf32, #tpu.memory_space<vmem>>, vector<16xf32>,
      %swap3A_149 = arith.index_cast %scan3A_146 : i32 to index
      %swap3A_150 = arith.constant 16 : index
      %swap3A_151 = tpu.vector_load %arg5[%swap3A_149, %swap3A_150] {strides = array<i32>} : memref<64x144xf32, #tpu.memory_space<vmem>>, vector<16xf32>,
      tpu.vector_store %arg5[%swap3A_149, %swap3A_150], %broadcast_in_dim3A_0 {strides = array<i32>} : memref<64x144xf32, #tpu.memory_space<vmem>>, vector<16xf32>,
      %swap3A_152 = arith.index_cast %scan3A_146 : i32 to index
      %swap3A_153 = arith.constant 32 : index
      %swap3A_154 = tpu.vector_load %arg5[%swap3A_152, %swap3A_153] {strides = array<i32>} : memref<64x144xf32, #tpu.memory_space<vmem>>, vector<16xf32>,
      tpu.vector_store %arg5[%swap3A_152, %swap3A_153], %broadcast_in_dim3A_0 {strides = array<i32>} : memref<64x144xf32, #tpu.memory_space<vmem>>, vector<16xf32>,
      %swap3A_155 = arith.index_cast %scan3A_146 : i32 to index
      %swap3A_156 = arith.constant 48 : index
      %swap3A_157 = tpu.vector_load %arg5[%swap3A_155, %swap3A_156] {strides = array<i32>} : memref<64x144xf32, #tpu.memory_space<vmem>>, vector<16xf32>,
      tpu.vector_store %arg5[%swap3A_155, %swap3A_156], %broadcast_in_dim3A_0 {strides = array<i32>} : memref<64x144xf32, #tpu.memory_space<vmem>>, vector<16xf32>,
      %swap3A_158 = arith.index_cast %scan3A_146 : i32 to index
      %swap3A_159 = arith.constant 64 : index
      %swap3A_160 = tpu.vector_load %arg5[%swap3A_158, %swap3A_159] {strides = array<i32>} : memref<64x144xf32, #tpu.memory_space<vmem>>, vector<16xf32>,
      tpu.vector_store %arg5[%swap3A_158, %swap3A_159], %broadcast_in_dim3A_0 {strides = array<i32>} : memref<64x144xf32, #tpu.memory_space<vmem>>, vector<16xf32>,
      %swap3A_161 = arith.index_cast %scan3A_146 : i32 to index
      %swap3A_162 = arith.constant 80 : index
      %swap3A_163 = tpu.vector_load %arg5[%swap3A_161, %swap3A_162] {strides = array<i32>} : memref<64x144xf32, #tpu.memory_space<vmem>>, vector<16xf32>,
      tpu.vector_store %arg5[%swap3A_161, %swap3A_162], %broadcast_in_dim3A_0 {strides = array<i32>} : memref<64x144xf32, #tpu.memory_space<vmem>>, vector<16xf32>,
      %swap3A_164 = arith.index_cast %scan3A_146 : i32 to index
      %swap3A_165 = arith.constant 96 : index
      %swap3A_166 = tpu.vector_load %arg5[%swap3A_164, %swap3A_165] {strides = array<i32>} : memref<64x144xf32, #tpu.memory_space<vmem>>, vector<16xf32>,
      tpu.vector_store %arg5[%swap3A_164, %swap3A_165], %broadcast_in_dim3A_0 {strides = array<i32>} : memref<64x144xf32, #tpu.memory_space<vmem>>, vector<16xf32>,
      %swap3A_167 = arith.index_cast %scan3A_146 : i32 to index
      %swap3A_168 = arith.constant 112 : index
      %swap3A_169 = tpu.vector_load %arg5[%swap3A_167, %swap3A_168] {strides = array<i32>} : memref<64x144xf32, #tpu.memory_space<vmem>>, vector<16xf32>,
      tpu.vector_store %arg5[%swap3A_167, %swap3A_168], %broadcast_in_dim3A_0 {strides = array<i32>} : memref<64x144xf32, #tpu.memory_space<vmem>>, vector<16xf32>,
      %swap3A_170 = arith.index_cast %scan3A_146 : i32 to index
      %swap3A_171 = arith.constant 128 : index
      %swap3A_172 = tpu.vector_load %arg5[%swap3A_170, %swap3A_171] {strides = array<i32>} : memref<64x144xf32, #tpu.memory_space<vmem>>, vector<16xf32>,
      tpu.vector_store %arg5[%swap3A_170, %swap3A_171], %broadcast_in_dim3A_0 {strides = array<i32>} : memref<64x144xf32, #tpu.memory_space<vmem>>, vector<16xf32>,
    }
    %scan3A_5 = arith.constant 64 : i32
    %mul3A = arith.constant 625 : i32
    %mul3A_6 = arith.muli %arg1, %mul3A : i32
    %add3A = arith.constant 0 : i32
    %add3A_7 = arith.addi %mul3A_6, %add3A : i32
    "tpu.region"() ({
      %run_scoped3A = tpu.sem_alloc : memref<!tpu.dma_semaphore, #tpu.memory_space<semaphore_mem>>
      %dma_start3A = arith.constant 0 : i32
      %dma_start3A_146 = tpu.memref_slice %arg11[%add3A_7, %dma_start3A] : memref<10000x144xf32, #tpu.memory_space<vmem_shared>> -> memref<64x144xf32, #tpu.memory_space<vmem_shared>>
      %dma_start3A_147 = arith.constant 0 : i32
      %dma_start3A_148 = tpu.memref_slice %arg11[%add3A_7, %dma_start3A_147] : memref<10000x144xf32, #tpu.memory_space<vmem_shared>> -> memref<64x144xf32, #tpu.memory_space<vmem_shared>>
      tpu.enqueue_dma source(%arg5 : memref<64x144xf32, #tpu.memory_space<vmem>>) target(%dma_start3A_148 : memref<64x144xf32, #tpu.memory_space<vmem_shared>>) target_semaphore(%run_scoped3A : memref<!tpu.dma_semaphore, #tpu.memory_space<semaphore_mem>>)
      %dma_wait3A_149 = arith.constant 0 : i32
      %dma_wait3A_150 = tpu.memref_slice %arg11[%add3A_7, %dma_wait3A_149] : memref<10000x144xf32, #tpu.memory_space<vmem_shared>> -> memref<64x144xf32, #tpu.memory_space<vmem_shared>>
      %dma_wait3A_151 = arith.constant 0 : i32
      %dma_wait3A_152 = tpu.memref_slice %arg11[%add3A_7, %dma_wait3A_151] : memref<10000x144xf32, #tpu.memory_space<vmem_shared>> -> memref<64x144xf32, #tpu.memory_space<vmem_shared>>
      tpu.wait_dma2 semaphore(%run_scoped3A : memref<!tpu.dma_semaphore, #tpu.memory_space<semaphore_mem>>) src(%arg5 : memref<64x144xf32, #tpu.memory_space<vmem>>) dst(%dma_wait3A_152 : memref<64x144xf32, #tpu.memory_space<vmem_shared>>)
      tpu.yield
    }) : () -> ()
    %add3A_8 = arith.constant 64 : i32
    %add3A_9 = arith.addi %mul3A_6, %add3A_8 : i32
    "tpu.region"() ({
      %run_scoped3A = tpu.sem_alloc : memref<!tpu.dma_semaphore, #tpu.memory_space<semaphore_mem>>
      %dma_start3A = arith.constant 0 : i32
      %dma_start3A_146 = tpu.memref_slice %arg11[%add3A_9, %dma_start3A] : memref<10000x144xf32, #tpu.memory_space<vmem_shared>> -> memref<64x144xf32, #tpu.memory_space<vmem_shared>>
      %dma_start3A_147 = arith.constant 0 : i32
      %dma_start3A_148 = tpu.memref_slice %arg11[%add3A_9, %dma_start3A_147] : memref<10000x144xf32, #tpu.memory_space<vmem_shared>> -> memref<64x144xf32, #tpu.memory_space<vmem_shared>>
      tpu.enqueue_dma source(%arg5 : memref<64x144xf32, #tpu.memory_space<vmem>>) target(%dma_start3A_148 : memref<64x144xf32, #tpu.memory_space<vmem_shared>>) target_semaphore(%run_scoped3A : memref<!tpu.dma_semaphore, #tpu.memory_space<semaphore_mem>>)
      %dma_wait3A_149 = arith.constant 0 : i32
      %dma_wait3A_150 = tpu.memref_slice %arg11[%add3A_9, %dma_wait3A_149] : memref<10000x144xf32, #tpu.memory_space<vmem_shared>> -> memref<64x144xf32, #tpu.memory_space<vmem_shared>>
      %dma_wait3A_151 = arith.constant 0 : i32
      %dma_wait3A_152 = tpu.memref_slice %arg11[%add3A_9, %dma_wait3A_151] : memref<10000x144xf32, #tpu.memory_space<vmem_shared>> -> memref<64x144xf32, #tpu.memory_space<vmem_shared>>
      tpu.wait_dma2 semaphore(%run_scoped3A : memref<!tpu.dma_semaphore, #tpu.memory_space<semaphore_mem>>) src(%arg5 : memref<64x144xf32, #tpu.memory_space<vmem>>) dst(%dma_wait3A_152 : memref<64x144xf32, #tpu.memory_space<vmem_shared>>)
      tpu.yield
    }) : () -> ()
    %add3A_10 = arith.constant 128 : i32
    %add3A_11 = arith.addi %mul3A_6, %add3A_10 : i32
    "tpu.region"() ({
      %run_scoped3A = tpu.sem_alloc : memref<!tpu.dma_semaphore, #tpu.memory_space<semaphore_mem>>
      %dma_start3A = arith.constant 0 : i32
      %dma_start3A_146 = tpu.memref_slice %arg11[%add3A_11, %dma_start3A] : memref<10000x144xf32, #tpu.memory_space<vmem_shared>> -> memref<64x144xf32, #tpu.memory_space<vmem_shared>>
      %dma_start3A_147 = arith.constant 0 : i32
      %dma_start3A_148 = tpu.memref_slice %arg11[%add3A_11, %dma_start3A_147] : memref<10000x144xf32, #tpu.memory_space<vmem_shared>> -> memref<64x144xf32, #tpu.memory_space<vmem_shared>>
      tpu.enqueue_dma source(%arg5 : memref<64x144xf32, #tpu.memory_space<vmem>>) target(%dma_start3A_148 : memref<64x144xf32, #tpu.memory_space<vmem_shared>>) target_semaphore(%run_scoped3A : memref<!tpu.dma_semaphore, #tpu.memory_space<semaphore_mem>>)
      %dma_wait3A_149 = arith.constant 0 : i32
      %dma_wait3A_150 = tpu.memref_slice %arg11[%add3A_11, %dma_wait3A_149] : memref<10000x144xf32, #tpu.memory_space<vmem_shared>> -> memref<64x144xf32, #tpu.memory_space<vmem_shared>>
      %dma_wait3A_151 = arith.constant 0 : i32
      %dma_wait3A_152 = tpu.memref_slice %arg11[%add3A_11, %dma_wait3A_151] : memref<10000x144xf32, #tpu.memory_space<vmem_shared>> -> memref<64x144xf32, #tpu.memory_space<vmem_shared>>
      tpu.wait_dma2 semaphore(%run_scoped3A : memref<!tpu.dma_semaphore, #tpu.memory_space<semaphore_mem>>) src(%arg5 : memref<64x144xf32, #tpu.memory_space<vmem>>) dst(%dma_wait3A_152 : memref<64x144xf32, #tpu.memory_space<vmem_shared>>)
      tpu.yield
    }) : () -> ()
    %add3A_12 = arith.constant 192 : i32
    %add3A_13 = arith.addi %mul3A_6, %add3A_12 : i32
    "tpu.region"() ({
      %run_scoped3A = tpu.sem_alloc : memref<!tpu.dma_semaphore, #tpu.memory_space<semaphore_mem>>
      %dma_start3A = arith.constant 0 : i32
      %dma_start3A_146 = tpu.memref_slice %arg11[%add3A_13, %dma_start3A] : memref<10000x144xf32, #tpu.memory_space<vmem_shared>> -> memref<64x144xf32, #tpu.memory_space<vmem_shared>>
      %dma_start3A_147 = arith.constant 0 : i32
      %dma_start3A_148 = tpu.memref_slice %arg11[%add3A_13, %dma_start3A_147] : memref<10000x144xf32, #tpu.memory_space<vmem_shared>> -> memref<64x144xf32, #tpu.memory_space<vmem_shared>>
      tpu.enqueue_dma source(%arg5 : memref<64x144xf32, #tpu.memory_space<vmem>>) target(%dma_start3A_148 : memref<64x144xf32, #tpu.memory_space<vmem_shared>>) target_semaphore(%run_scoped3A : memref<!tpu.dma_semaphore, #tpu.memory_space<semaphore_mem>>)
      %dma_wait3A_149 = arith.constant 0 : i32
      %dma_wait3A_150 = tpu.memref_slice %arg11[%add3A_13, %dma_wait3A_149] : memref<10000x144xf32, #tpu.memory_space<vmem_shared>> -> memref<64x144xf32, #tpu.memory_space<vmem_shared>>
      %dma_wait3A_151 = arith.constant 0 : i32
      %dma_wait3A_152 = tpu.memref_slice %arg11[%add3A_13, %dma_wait3A_151] : memref<10000x144xf32, #tpu.memory_space<vmem_shared>> -> memref<64x144xf32, #tpu.memory_space<vmem_shared>>
      tpu.wait_dma2 semaphore(%run_scoped3A : memref<!tpu.dma_semaphore, #tpu.memory_space<semaphore_mem>>) src(%arg5 : memref<64x144xf32, #tpu.memory_space<vmem>>) dst(%dma_wait3A_152 : memref<64x144xf32, #tpu.memory_space<vmem_shared>>)
      tpu.yield
    }) : () -> ()
    %add3A_14 = arith.constant 256 : i32
    %add3A_15 = arith.addi %mul3A_6, %add3A_14 : i32
    "tpu.region"() ({
      %run_scoped3A = tpu.sem_alloc : memref<!tpu.dma_semaphore, #tpu.memory_space<semaphore_mem>>
      %dma_start3A = arith.constant 0 : i32
      %dma_start3A_146 = tpu.memref_slice %arg11[%add3A_15, %dma_start3A] : memref<10000x144xf32, #tpu.memory_space<vmem_shared>> -> memref<64x144xf32, #tpu.memory_space<vmem_shared>>
      %dma_start3A_147 = arith.constant 0 : i32
      %dma_start3A_148 = tpu.memref_slice %arg11[%add3A_15, %dma_start3A_147] : memref<10000x144xf32, #tpu.memory_space<vmem_shared>> -> memref<64x144xf32, #tpu.memory_space<vmem_shared>>
      tpu.enqueue_dma source(%arg5 : memref<64x144xf32, #tpu.memory_space<vmem>>) target(%dma_start3A_148 : memref<64x144xf32, #tpu.memory_space<vmem_shared>>) target_semaphore(%run_scoped3A : memref<!tpu.dma_semaphore, #tpu.memory_space<semaphore_mem>>)
      %dma_wait3A_149 = arith.constant 0 : i32
      %dma_wait3A_150 = tpu.memref_slice %arg11[%add3A_15, %dma_wait3A_149] : memref<10000x144xf32, #tpu.memory_space<vmem_shared>> -> memref<64x144xf32, #tpu.memory_space<vmem_shared>>
      %dma_wait3A_151 = arith.constant 0 : i32
      %dma_wait3A_152 = tpu.memref_slice %arg11[%add3A_15, %dma_wait3A_151] : memref<10000x144xf32, #tpu.memory_space<vmem_shared>> -> memref<64x144xf32, #tpu.memory_space<vmem_shared>>
      tpu.wait_dma2 semaphore(%run_scoped3A : memref<!tpu.dma_semaphore, #tpu.memory_space<semaphore_mem>>) src(%arg5 : memref<64x144xf32, #tpu.memory_space<vmem>>) dst(%dma_wait3A_152 : memref<64x144xf32, #tpu.memory_space<vmem_shared>>)
      tpu.yield
    }) : () -> ()
    %add3A_16 = arith.constant 320 : i32
    %add3A_17 = arith.addi %mul3A_6, %add3A_16 : i32
    "tpu.region"() ({
      %run_scoped3A = tpu.sem_alloc : memref<!tpu.dma_semaphore, #tpu.memory_space<semaphore_mem>>
      %dma_start3A = arith.constant 0 : i32
      %dma_start3A_146 = tpu.memref_slice %arg11[%add3A_17, %dma_start3A] : memref<10000x144xf32, #tpu.memory_space<vmem_shared>> -> memref<64x144xf32, #tpu.memory_space<vmem_shared>>
      %dma_start3A_147 = arith.constant 0 : i32
      %dma_start3A_148 = tpu.memref_slice %arg11[%add3A_17, %dma_start3A_147] : memref<10000x144xf32, #tpu.memory_space<vmem_shared>> -> memref<64x144xf32, #tpu.memory_space<vmem_shared>>
      tpu.enqueue_dma source(%arg5 : memref<64x144xf32, #tpu.memory_space<vmem>>) target(%dma_start3A_148 : memref<64x144xf32, #tpu.memory_space<vmem_shared>>) target_semaphore(%run_scoped3A : memref<!tpu.dma_semaphore, #tpu.memory_space<semaphore_mem>>)
      %dma_wait3A_149 = arith.constant 0 : i32
      %dma_wait3A_150 = tpu.memref_slice %arg11[%add3A_17, %dma_wait3A_149] : memref<10000x144xf32, #tpu.memory_space<vmem_shared>> -> memref<64x144xf32, #tpu.memory_space<vmem_shared>>
      %dma_wait3A_151 = arith.constant 0 : i32
      %dma_wait3A_152 = tpu.memref_slice %arg11[%add3A_17, %dma_wait3A_151] : memref<10000x144xf32, #tpu.memory_space<vmem_shared>> -> memref<64x144xf32, #tpu.memory_space<vmem_shared>>
      tpu.wait_dma2 semaphore(%run_scoped3A : memref<!tpu.dma_semaphore, #tpu.memory_space<semaphore_mem>>) src(%arg5 : memref<64x144xf32, #tpu.memory_space<vmem>>) dst(%dma_wait3A_152 : memref<64x144xf32, #tpu.memory_space<vmem_shared>>)
      tpu.yield
    }) : () -> ()
    %add3A_18 = arith.constant 384 : i32
    %add3A_19 = arith.addi %mul3A_6, %add3A_18 : i32
    "tpu.region"() ({
      %run_scoped3A = tpu.sem_alloc : memref<!tpu.dma_semaphore, #tpu.memory_space<semaphore_mem>>
      %dma_start3A = arith.constant 0 : i32
      %dma_start3A_146 = tpu.memref_slice %arg11[%add3A_19, %dma_start3A] : memref<10000x144xf32, #tpu.memory_space<vmem_shared>> -> memref<64x144xf32, #tpu.memory_space<vmem_shared>>
      %dma_start3A_147 = arith.constant 0 : i32
      %dma_start3A_148 = tpu.memref_slice %arg11[%add3A_19, %dma_start3A_147] : memref<10000x144xf32, #tpu.memory_space<vmem_shared>> -> memref<64x144xf32, #tpu.memory_space<vmem_shared>>
      tpu.enqueue_dma source(%arg5 : memref<64x144xf32, #tpu.memory_space<vmem>>) target(%dma_start3A_148 : memref<64x144xf32, #tpu.memory_space<vmem_shared>>) target_semaphore(%run_scoped3A : memref<!tpu.dma_semaphore, #tpu.memory_space<semaphore_mem>>)
      %dma_wait3A_149 = arith.constant 0 : i32
      %dma_wait3A_150 = tpu.memref_slice %arg11[%add3A_19, %dma_wait3A_149] : memref<10000x144xf32, #tpu.memory_space<vmem_shared>> -> memref<64x144xf32, #tpu.memory_space<vmem_shared>>
      %dma_wait3A_151 = arith.constant 0 : i32
      %dma_wait3A_152 = tpu.memref_slice %arg11[%add3A_19, %dma_wait3A_151] : memref<10000x144xf32, #tpu.memory_space<vmem_shared>> -> memref<64x144xf32, #tpu.memory_space<vmem_shared>>
      tpu.wait_dma2 semaphore(%run_scoped3A : memref<!tpu.dma_semaphore, #tpu.memory_space<semaphore_mem>>) src(%arg5 : memref<64x144xf32, #tpu.memory_space<vmem>>) dst(%dma_wait3A_152 : memref<64x144xf32, #tpu.memory_space<vmem_shared>>)
      tpu.yield
    }) : () -> ()
    %add3A_20 = arith.constant 448 : i32
    %add3A_21 = arith.addi %mul3A_6, %add3A_20 : i32
    "tpu.region"() ({
      %run_scoped3A = tpu.sem_alloc : memref<!tpu.dma_semaphore, #tpu.memory_space<semaphore_mem>>
      %dma_start3A = arith.constant 0 : i32
      %dma_start3A_146 = tpu.memref_slice %arg11[%add3A_21, %dma_start3A] : memref<10000x144xf32, #tpu.memory_space<vmem_shared>> -> memref<64x144xf32, #tpu.memory_space<vmem_shared>>
      %dma_start3A_147 = arith.constant 0 : i32
      %dma_start3A_148 = tpu.memref_slice %arg11[%add3A_21, %dma_start3A_147] : memref<10000x144xf32, #tpu.memory_space<vmem_shared>> -> memref<64x144xf32, #tpu.memory_space<vmem_shared>>
      tpu.enqueue_dma source(%arg5 : memref<64x144xf32, #tpu.memory_space<vmem>>) target(%dma_start3A_148 : memref<64x144xf32, #tpu.memory_space<vmem_shared>>) target_semaphore(%run_scoped3A : memref<!tpu.dma_semaphore, #tpu.memory_space<semaphore_mem>>)
      %dma_wait3A_149 = arith.constant 0 : i32
      %dma_wait3A_150 = tpu.memref_slice %arg11[%add3A_21, %dma_wait3A_149] : memref<10000x144xf32, #tpu.memory_space<vmem_shared>> -> memref<64x144xf32, #tpu.memory_space<vmem_shared>>
      %dma_wait3A_151 = arith.constant 0 : i32
      %dma_wait3A_152 = tpu.memref_slice %arg11[%add3A_21, %dma_wait3A_151] : memref<10000x144xf32, #tpu.memory_space<vmem_shared>> -> memref<64x144xf32, #tpu.memory_space<vmem_shared>>
      tpu.wait_dma2 semaphore(%run_scoped3A : memref<!tpu.dma_semaphore, #tpu.memory_space<semaphore_mem>>) src(%arg5 : memref<64x144xf32, #tpu.memory_space<vmem>>) dst(%dma_wait3A_152 : memref<64x144xf32, #tpu.memory_space<vmem_shared>>)
      tpu.yield
    }) : () -> ()
    %add3A_22 = arith.constant 512 : i32
    %add3A_23 = arith.addi %mul3A_6, %add3A_22 : i32
    "tpu.region"() ({
      %run_scoped3A = tpu.sem_alloc : memref<!tpu.dma_semaphore, #tpu.memory_space<semaphore_mem>>
      %dma_start3A = arith.constant 0 : i32
      %dma_start3A_146 = tpu.memref_slice %arg11[%add3A_23, %dma_start3A] : memref<10000x144xf32, #tpu.memory_space<vmem_shared>> -> memref<64x144xf32, #tpu.memory_space<vmem_shared>>
      %dma_start3A_147 = arith.constant 0 : i32
      %dma_start3A_148 = tpu.memref_slice %arg11[%add3A_23, %dma_start3A_147] : memref<10000x144xf32, #tpu.memory_space<vmem_shared>> -> memref<64x144xf32, #tpu.memory_space<vmem_shared>>
      tpu.enqueue_dma source(%arg5 : memref<64x144xf32, #tpu.memory_space<vmem>>) target(%dma_start3A_148 : memref<64x144xf32, #tpu.memory_space<vmem_shared>>) target_semaphore(%run_scoped3A : memref<!tpu.dma_semaphore, #tpu.memory_space<semaphore_mem>>)
      %dma_wait3A_149 = arith.constant 0 : i32
      %dma_wait3A_150 = tpu.memref_slice %arg11[%add3A_23, %dma_wait3A_149] : memref<10000x144xf32, #tpu.memory_space<vmem_shared>> -> memref<64x144xf32, #tpu.memory_space<vmem_shared>>
      %dma_wait3A_151 = arith.constant 0 : i32
      %dma_wait3A_152 = tpu.memref_slice %arg11[%add3A_23, %dma_wait3A_151] : memref<10000x144xf32, #tpu.memory_space<vmem_shared>> -> memref<64x144xf32, #tpu.memory_space<vmem_shared>>
      tpu.wait_dma2 semaphore(%run_scoped3A : memref<!tpu.dma_semaphore, #tpu.memory_space<semaphore_mem>>) src(%arg5 : memref<64x144xf32, #tpu.memory_space<vmem>>) dst(%dma_wait3A_152 : memref<64x144xf32, #tpu.memory_space<vmem_shared>>)
      tpu.yield
    }) : () -> ()
    %add3A_24 = arith.constant 625 : i32
    %add3A_25 = arith.addi %mul3A_6, %add3A_24 : i32
    %sub3A = arith.constant 49 : i32
    %sub3A_26 = arith.subi %add3A_25, %sub3A : i32
    "tpu.region"() ({
      %run_scoped3A = tpu.sem_alloc : memref<!tpu.dma_semaphore, #tpu.memory_space<semaphore_mem>>
      %dma_start3A = arith.constant 0 : i32
      %dma_start3A_146 = arith.constant 0 : i32
      %dma_start3A_147 = tpu.memref_slice %arg5[%dma_start3A, %dma_start3A_146] : memref<64x144xf32, #tpu.memory_space<vmem>> -> memref<49x144xf32, #tpu.memory_space<vmem>>
      %dma_start3A_148 = arith.constant 0 : i32
      %dma_start3A_149 = tpu.memref_slice %arg11[%sub3A_26, %dma_start3A_148] : memref<10000x144xf32, #tpu.memory_space<vmem_shared>> -> memref<49x144xf32, #tpu.memory_space<vmem_shared>>
      %dma_start3A_150 = arith.constant 0 : i32
      %dma_start3A_151 = tpu.memref_slice %arg11[%sub3A_26, %dma_start3A_150] : memref<10000x144xf32, #tpu.memory_space<vmem_shared>> -> memref<49x144xf32, #tpu.memory_space<vmem_shared>>
      %dma_start3A_152 = arith.constant 0 : i32
      %dma_start3A_153 = arith.constant 0 : i32
      %dma_start3A_154 = tpu.memref_slice %arg5[%dma_start3A_152, %dma_start3A_153] : memref<64x144xf32, #tpu.memory_space<vmem>> -> memref<49x144xf32, #tpu.memory_space<vmem>>
      tpu.enqueue_dma source(%dma_start3A_154 : memref<49x144xf32, #tpu.memory_space<vmem>>) target(%dma_start3A_151 : memref<49x144xf32, #tpu.memory_space<vmem_shared>>) target_semaphore(%run_scoped3A : memref<!tpu.dma_semaphore, #tpu.memory_space<semaphore_mem>>)
      %dma_wait3A_155 = arith.constant 0 : i32
      %dma_wait3A_156 = arith.constant 0 : i32
      %dma_wait3A_157 = tpu.memref_slice %arg5[%dma_wait3A_155, %dma_wait3A_156] : memref<64x144xf32, #tpu.memory_space<vmem>> -> memref<49x144xf32, #tpu.memory_space<vmem>>
      %dma_wait3A_158 = arith.constant 0 : i32
      %dma_wait3A_159 = tpu.memref_slice %arg11[%sub3A_26, %dma_wait3A_158] : memref<10000x144xf32, #tpu.memory_space<vmem_shared>> -> memref<49x144xf32, #tpu.memory_space<vmem_shared>>
      %dma_wait3A_160 = arith.constant 0 : i32
      %dma_wait3A_161 = tpu.memref_slice %arg11[%sub3A_26, %dma_wait3A_160] : memref<10000x144xf32, #tpu.memory_space<vmem_shared>> -> memref<49x144xf32, #tpu.memory_space<vmem_shared>>
      %dma_wait3A_162 = arith.constant 0 : i32
      %dma_wait3A_163 = arith.constant 0 : i32
      %dma_wait3A_164 = tpu.memref_slice %arg5[%dma_wait3A_162, %dma_wait3A_163] : memref<64x144xf32, #tpu.memory_space<vmem>> -> memref<49x144xf32, #tpu.memory_space<vmem>>
      tpu.wait_dma2 semaphore(%run_scoped3A : memref<!tpu.dma_semaphore, #tpu.memory_space<semaphore_mem>>) src(%dma_wait3A_164 : memref<49x144xf32, #tpu.memory_space<vmem>>) dst(%dma_wait3A_161 : memref<49x144xf32, #tpu.memory_space<vmem_shared>>)
      tpu.yield
    }) : () -> ()
    %barrier3A = arith.constant 0 : index
    tpu.barrier barrier_id(%barrier3A)
    %sub3A_27 = arith.constant 1250 : i32
    %sub3A_28 = arith.subi %sub3A_27, %arg1 : i32
    %add3A_29 = arith.constant 16 : i32
    %add3A_30 = arith.addi %sub3A_28, %add3A_29 : i32
    %sub3A_31 = arith.constant 1 : i32
    %sub3A_32 = arith.subi %add3A_30, %sub3A_31 : i32
    %jit3A = arith.constant 16 : i32
    %div3A = arith.divsi %sub3A_32, %jit3A : i32
    %sign3A = arith.constant 0 : i32
    %sign3A_33 = arith.cmpi sgt, %sub3A_32, %sign3A : i32
    %sign3A_34 = arith.extui %sign3A_33 : i1 to i32
    %sign3A_35 = arith.constant 0 : i32
    %sign3A_36 = arith.cmpi slt, %sub3A_32, %sign3A_35 : i32
    %sign3A_37 = arith.extui %sign3A_36 : i1 to i32
    %sign3A_38 = arith.subi %sign3A_34, %sign3A_37 : i32
    %sign3A_39 = arith.constant 0 : i32
    %sign3A_40 = arith.cmpi sgt, %jit3A, %sign3A_39 : i32
    %sign3A_41 = arith.extui %sign3A_40 : i1 to i32
    %sign3A_42 = arith.constant 0 : i32
    %sign3A_43 = arith.cmpi slt, %jit3A, %sign3A_42 : i32
    %sign3A_44 = arith.extui %sign3A_43 : i1 to i32
    %sign3A_45 = arith.subi %sign3A_41, %sign3A_44 : i32
    %ne3A = arith.cmpi ne, %sign3A_38, %sign3A_45 : i32
    %rem3A = arith.remsi %sub3A_32, %jit3A : i32
    %ne3A_46 = arith.constant 0 : i32
    %ne3A_47 = arith.cmpi ne, %rem3A, %ne3A_46 : i32
    %and3A = arith.andi %ne3A, %ne3A_47 : i1
    %sub3A_48 = arith.constant 1 : i32
    %sub3A_49 = arith.subi %div3A, %sub3A_48 : i32
    %select_n3A = arith.select %and3A, %sub3A_49, %div3A : i32
    %while3A = arith.constant 0 : i32
    %while3A_50 = arith.constant 0 : i32
    %while3A_51 = arith.subi %select_n3A, %while3A_50 : i32
    %while3A_52 = arith.addi %while3A_50, %while3A_51 : i32
    %while3A_53 = arith.constant 1 : i32
    %while3A_54 = arith.divsi %while3A_51, %while3A_53 : i32
    %while3A_55 = arith.muli %while3A_54, %while3A_53 : i32
    %while3A_56 = arith.addi %while3A_50, %while3A_55 : i32
    %while3A_57 = arith.constant 1 : i32
    scf.for %while3A_146 = %while3A_50 to %while3A_56 step %while3A_57  : i32 {
      %mul3A_147 = arith.constant 16 : i32
      %mul3A_148 = arith.muli %while3A_146, %mul3A_147 : i32
      %add3A_149 = arith.addi %arg1, %mul3A_148 : i32
      %gt3A = arith.constant 0 : i32
      %gt3A_150 = arith.cmpi sgt, %while3A_146, %gt3A : i32
      %convert_element_type3A = arith.extui %gt3A_150 : i1 to i32
      %cond3A = arith.constant 0 : i32
      %cond3A_151 = arith.cmpi ne, %convert_element_type3A, %cond3A : i32
      scf.if %cond3A_151 {
        %dma_wait3A_282 = arith.constant 0 : i32
        %dma_wait3A_283 = arith.constant 0 : i32
        %dma_wait3A_284 = arith.constant 0 : i32
        %dma_wait3A_285 = arith.constant 0 : i32
        %dma_wait3A_286 = arith.constant 0 : i32
        %dma_wait3A_287 = tpu.memref_slice %arg9[%dma_wait3A_282, %dma_wait3A_283, %dma_wait3A_284, %dma_wait3A_285, %dma_wait3A_286] : memref<1x1x2x2x64xi32, #tpu.memory_space<vmem>> -> memref<1x1x1x1x64xi32, #tpu.memory_space<vmem>>
        %dma_wait3A_288 = tpu.memref_squeeze %dma_wait3A_287 : memref<1x1x1x1x64xi32, #tpu.memory_space<vmem>> -> memref<64xi32, #tpu.memory_space<vmem>>
        %dma_wait3A_289 = arith.constant 0 : i32
        %dma_wait3A_290 = arith.constant 0 : i32
        %dma_wait3A_291 = tpu.memref_slice %arg11[%dma_wait3A_289, %dma_wait3A_290] : memref<10000x144xf32, #tpu.memory_space<vmem_shared>> -> memref<10000x144xf32, #tpu.memory_space<vmem_shared>>
        tpu.wait_indirect_dma semaphore(%arg16 : memref<!tpu.dma_semaphore, #tpu.memory_space<semaphore_mem>>) src(%arg5 : memref<64x144xf32, #tpu.memory_space<vmem>>) dst(%dma_wait3A_291 : memref<10000x144xf32, #tpu.memory_space<vmem_shared>>)
        %dma_wait3A_292 = arith.constant 0 : i32
        %dma_wait3A_293 = arith.constant 0 : i32
        %dma_wait3A_294 = arith.constant 1 : i32
        %dma_wait3A_295 = arith.constant 0 : i32
        %dma_wait3A_296 = arith.constant 0 : i32
        %dma_wait3A_297 = tpu.memref_slice %arg9[%dma_wait3A_292, %dma_wait3A_293, %dma_wait3A_294, %dma_wait3A_295, %dma_wait3A_296] : memref<1x1x2x2x64xi32, #tpu.memory_space<vmem>> -> memref<1x1x1x1x64xi32, #tpu.memory_space<vmem>>
        %dma_wait3A_298 = tpu.memref_squeeze %dma_wait3A_297 : memref<1x1x1x1x64xi32, #tpu.memory_space<vmem>> -> memref<64xi32, #tpu.memory_space<vmem>>
        %dma_wait3A_299 = arith.constant 0 : i32
        %dma_wait3A_300 = arith.constant 0 : i32
        %dma_wait3A_301 = tpu.memref_slice %arg11[%dma_wait3A_299, %dma_wait3A_300] : memref<10000x144xf32, #tpu.memory_space<vmem_shared>> -> memref<10000x144xf32, #tpu.memory_space<vmem_shared>>
        tpu.wait_indirect_dma semaphore(%arg17 : memref<!tpu.dma_semaphore, #tpu.memory_space<semaphore_mem>>) src(%arg6 : memref<64x144xf32, #tpu.memory_space<vmem>>) dst(%dma_wait3A_301 : memref<10000x144xf32, #tpu.memory_space<vmem_shared>>)
      } else {
      }
      %mul3A_152 = arith.constant 2 : i32
      %mul3A_153 = arith.muli %mul3A_152, %add3A_149 : i32
      "tpu.region"() ({
        %run_scoped3A = tpu.sem_alloc : memref<!tpu.dma_semaphore, #tpu.memory_space<semaphore_mem>>
        %dma_start3A_282 = arith.constant 0 : i32
        %dma_start3A_283 = arith.constant 0 : i32
        %dma_start3A_284 = arith.constant 0 : i32
        %dma_start3A_285 = tpu.memref_slice %arg2[%arg0, %mul3A_153, %dma_start3A_282, %dma_start3A_283, %dma_start3A_284] : memref<2x2500x2x2x64xi32, #tpu.memory_space<hbm>> -> memref<1x1x2x2x64xi32, #tpu.memory_space<hbm>>
        %dma_start3A_286 = arith.constant 0 : i32
        %dma_start3A_287 = arith.constant 0 : i32
        %dma_start3A_288 = arith.constant 0 : i32
        %dma_start3A_289 = tpu.memref_slice %arg2[%arg0, %mul3A_153, %dma_start3A_286, %dma_start3A_287, %dma_start3A_288] : memref<2x2500x2x2x64xi32, #tpu.memory_space<hbm>> -> memref<1x1x2x2x64xi32, #tpu.memory_space<hbm>>
        tpu.enqueue_dma source(%dma_start3A_289 : memref<1x1x2x2x64xi32, #tpu.memory_space<hbm>>) target(%arg9 : memref<1x1x2x2x64xi32, #tpu.memory_space<vmem>>) target_semaphore(%run_scoped3A : memref<!tpu.dma_semaphore, #tpu.memory_space<semaphore_mem>>)
        %dma_wait3A_290 = arith.constant 0 : i32
        %dma_wait3A_291 = arith.constant 0 : i32
        %dma_wait3A_292 = arith.constant 0 : i32
        %dma_wait3A_293 = tpu.memref_slice %arg2[%arg0, %mul3A_153, %dma_wait3A_290, %dma_wait3A_291, %dma_wait3A_292] : memref<2x2500x2x2x64xi32, #tpu.memory_space<hbm>> -> memref<1x1x2x2x64xi32, #tpu.memory_space<hbm>>
        %dma_wait3A_294 = arith.constant 0 : i32
        %dma_wait3A_295 = arith.constant 0 : i32
        %dma_wait3A_296 = arith.constant 0 : i32
        %dma_wait3A_297 = tpu.memref_slice %arg2[%arg0, %mul3A_153, %dma_wait3A_294, %dma_wait3A_295, %dma_wait3A_296] : memref<2x2500x2x2x64xi32, #tpu.memory_space<hbm>> -> memref<1x1x2x2x64xi32, #tpu.memory_space<hbm>>
        tpu.wait_dma2 semaphore(%run_scoped3A : memref<!tpu.dma_semaphore, #tpu.memory_space<semaphore_mem>>) src(%dma_wait3A_297 : memref<1x1x2x2x64xi32, #tpu.memory_space<hbm>>) dst(%arg9 : memref<1x1x2x2x64xi32, #tpu.memory_space<vmem>>)
        tpu.yield
      }) : () -> ()
      %dma_start3A = arith.constant 0 : i32
      %dma_start3A_154 = arith.constant 0 : i32
      %dma_start3A_155 = arith.constant 0 : i32
      %dma_start3A_156 = arith.constant 1 : i32
      %dma_start3A_157 = arith.constant 0 : i32
      %dma_start3A_158 = tpu.memref_slice %arg9[%dma_start3A, %dma_start3A_154, %dma_start3A_155, %dma_start3A_156, %dma_start3A_157] : memref<1x1x2x2x64xi32, #tpu.memory_space<vmem>> -> memref<1x1x1x1x64xi32, #tpu.memory_space<vmem>>
      %dma_start3A_159 = tpu.memref_squeeze %dma_start3A_158 : memref<1x1x1x1x64xi32, #tpu.memory_space<vmem>> -> memref<64xi32, #tpu.memory_space<vmem>>
      %dma_start3A_160 = arith.constant 0 : i32
      %dma_start3A_161 = arith.constant 0 : i32
      %dma_start3A_162 = tpu.memref_slice %arg3[%dma_start3A_160, %dma_start3A_161] : memref<20000x144xf32, #tpu.memory_space<hbm>> -> memref<20000x144xf32, #tpu.memory_space<hbm>>
      tpu.enqueue_indirect_dma source(%dma_start3A_162 : memref<20000x144xf32, #tpu.memory_space<hbm>>) target(%arg5 : memref<64x144xf32, #tpu.memory_space<vmem>>) offsets(%dma_start3A_159 : memref<64xi32, #tpu.memory_space<vmem>>) semaphore(%arg12 : memref<!tpu.dma_semaphore, #tpu.memory_space<semaphore_mem>>)
      %dma_start3A_163 = arith.constant 0 : i32
      %dma_start3A_164 = arith.constant 0 : i32
      %dma_start3A_165 = arith.constant 1 : i32
      %dma_start3A_166 = arith.constant 1 : i32
      %dma_start3A_167 = arith.constant 0 : i32
      %dma_start3A_168 = tpu.memref_slice %arg9[%dma_start3A_163, %dma_start3A_164, %dma_start3A_165, %dma_start3A_166, %dma_start3A_167] : memref<1x1x2x2x64xi32, #tpu.memory_space<vmem>> -> memref<1x1x1x1x64xi32, #tpu.memory_space<vmem>>
      %dma_start3A_169 = tpu.memref_squeeze %dma_start3A_168 : memref<1x1x1x1x64xi32, #tpu.memory_space<vmem>> -> memref<64xi32, #tpu.memory_space<vmem>>
      %dma_start3A_170 = arith.constant 0 : i32
      %dma_start3A_171 = arith.constant 0 : i32
      %dma_start3A_172 = tpu.memref_slice %arg3[%dma_start3A_170, %dma_start3A_171] : memref<20000x144xf32, #tpu.memory_space<hbm>> -> memref<20000x144xf32, #tpu.memory_space<hbm>>
      tpu.enqueue_indirect_dma source(%dma_start3A_172 : memref<20000x144xf32, #tpu.memory_space<hbm>>) target(%arg6 : memref<64x144xf32, #tpu.memory_space<vmem>>) offsets(%dma_start3A_169 : memref<64xi32, #tpu.memory_space<vmem>>) semaphore(%arg13 : memref<!tpu.dma_semaphore, #tpu.memory_space<semaphore_mem>>)
      %gt3A_173 = arith.constant 0 : i32
      %gt3A_174 = arith.cmpi sgt, %while3A_146, %gt3A_173 : i32
      %convert_element_type3A_175 = arith.extui %gt3A_174 : i1 to i32
      %cond3A_176 = arith.constant 0 : i32
      %cond3A_177 = arith.cmpi ne, %convert_element_type3A_175, %cond3A_176 : i32
      scf.if %cond3A_177 {
        %dma_wait3A_282 = arith.constant 0 : i32
        %dma_wait3A_283 = arith.constant 0 : i32
        %dma_wait3A_284 = arith.constant 0 : i32
        %dma_wait3A_285 = arith.constant 0 : i32
        %dma_wait3A_286 = arith.constant 0 : i32
        %dma_wait3A_287 = tpu.memref_slice %arg10[%dma_wait3A_282, %dma_wait3A_283, %dma_wait3A_284, %dma_wait3A_285, %dma_wait3A_286] : memref<1x1x2x2x64xi32, #tpu.memory_space<vmem>> -> memref<1x1x1x1x64xi32, #tpu.memory_space<vmem>>
        %dma_wait3A_288 = tpu.memref_squeeze %dma_wait3A_287 : memref<1x1x1x1x64xi32, #tpu.memory_space<vmem>> -> memref<64xi32, #tpu.memory_space<vmem>>
        %dma_wait3A_289 = arith.constant 0 : i32
        %dma_wait3A_290 = arith.constant 0 : i32
        %dma_wait3A_291 = tpu.memref_slice %arg11[%dma_wait3A_289, %dma_wait3A_290] : memref<10000x144xf32, #tpu.memory_space<vmem_shared>> -> memref<10000x144xf32, #tpu.memory_space<vmem_shared>>
        tpu.wait_indirect_dma semaphore(%arg18 : memref<!tpu.dma_semaphore, #tpu.memory_space<semaphore_mem>>) src(%arg7 : memref<64x144xf32, #tpu.memory_space<vmem>>) dst(%dma_wait3A_291 : memref<10000x144xf32, #tpu.memory_space<vmem_shared>>)
        %dma_wait3A_292 = arith.constant 0 : i32
        %dma_wait3A_293 = arith.constant 0 : i32
        %dma_wait3A_294 = arith.constant 1 : i32
        %dma_wait3A_295 = arith.constant 0 : i32
        %dma_wait3A_296 = arith.constant 0 : i32
        %dma_wait3A_297 = tpu.memref_slice %arg10[%dma_wait3A_292, %dma_wait3A_293, %dma_wait3A_294, %dma_wait3A_295, %dma_wait3A_296] : memref<1x1x2x2x64xi32, #tpu.memory_space<vmem>> -> memref<1x1x1x1x64xi32, #tpu.memory_space<vmem>>
        %dma_wait3A_298 = tpu.memref_squeeze %dma_wait3A_297 : memref<1x1x1x1x64xi32, #tpu.memory_space<vmem>> -> memref<64xi32, #tpu.memory_space<vmem>>
        %dma_wait3A_299 = arith.constant 0 : i32
        %dma_wait3A_300 = arith.constant 0 : i32
        %dma_wait3A_301 = tpu.memref_slice %arg11[%dma_wait3A_299, %dma_wait3A_300] : memref<10000x144xf32, #tpu.memory_space<vmem_shared>> -> memref<10000x144xf32, #tpu.memory_space<vmem_shared>>
        tpu.wait_indirect_dma semaphore(%arg19 : memref<!tpu.dma_semaphore, #tpu.memory_space<semaphore_mem>>) src(%arg8 : memref<64x144xf32, #tpu.memory_space<vmem>>) dst(%dma_wait3A_301 : memref<10000x144xf32, #tpu.memory_space<vmem_shared>>)
      } else {
      }
      %mul3A_178 = arith.constant 2 : i32
      %mul3A_179 = arith.muli %mul3A_178, %add3A_149 : i32
      %add3A_180 = arith.constant 1 : i32
      %add3A_181 = arith.addi %mul3A_179, %add3A_180 : i32
      "tpu.region"() ({
        %run_scoped3A = tpu.sem_alloc : memref<!tpu.dma_semaphore, #tpu.memory_space<semaphore_mem>>
        %dma_start3A_282 = arith.constant 0 : i32
        %dma_start3A_283 = arith.constant 0 : i32
        %dma_start3A_284 = arith.constant 0 : i32
        %dma_start3A_285 = tpu.memref_slice %arg2[%arg0, %add3A_181, %dma_start3A_282, %dma_start3A_283, %dma_start3A_284] : memref<2x2500x2x2x64xi32, #tpu.memory_space<hbm>> -> memref<1x1x2x2x64xi32, #tpu.memory_space<hbm>>
        %dma_start3A_286 = arith.constant 0 : i32
        %dma_start3A_287 = arith.constant 0 : i32
        %dma_start3A_288 = arith.constant 0 : i32
        %dma_start3A_289 = tpu.memref_slice %arg2[%arg0, %add3A_181, %dma_start3A_286, %dma_start3A_287, %dma_start3A_288] : memref<2x2500x2x2x64xi32, #tpu.memory_space<hbm>> -> memref<1x1x2x2x64xi32, #tpu.memory_space<hbm>>
        tpu.enqueue_dma source(%dma_start3A_289 : memref<1x1x2x2x64xi32, #tpu.memory_space<hbm>>) target(%arg10 : memref<1x1x2x2x64xi32, #tpu.memory_space<vmem>>) target_semaphore(%run_scoped3A : memref<!tpu.dma_semaphore, #tpu.memory_space<semaphore_mem>>)
        %dma_wait3A_290 = arith.constant 0 : i32
        %dma_wait3A_291 = arith.constant 0 : i32
        %dma_wait3A_292 = arith.constant 0 : i32
        %dma_wait3A_293 = tpu.memref_slice %arg2[%arg0, %add3A_181, %dma_wait3A_290, %dma_wait3A_291, %dma_wait3A_292] : memref<2x2500x2x2x64xi32, #tpu.memory_space<hbm>> -> memref<1x1x2x2x64xi32, #tpu.memory_space<hbm>>
        %dma_wait3A_294 = arith.constant 0 : i32
        %dma_wait3A_295 = arith.constant 0 : i32
        %dma_wait3A_296 = arith.constant 0 : i32
        %dma_wait3A_297 = tpu.memref_slice %arg2[%arg0, %add3A_181, %dma_wait3A_294, %dma_wait3A_295, %dma_wait3A_296] : memref<2x2500x2x2x64xi32, #tpu.memory_space<hbm>> -> memref<1x1x2x2x64xi32, #tpu.memory_space<hbm>>
        tpu.wait_dma2 semaphore(%run_scoped3A : memref<!tpu.dma_semaphore, #tpu.memory_space<semaphore_mem>>) src(%dma_wait3A_297 : memref<1x1x2x2x64xi32, #tpu.memory_space<hbm>>) dst(%arg10 : memref<1x1x2x2x64xi32, #tpu.memory_space<vmem>>)
        tpu.yield
      }) : () -> ()
      %dma_start3A_182 = arith.constant 0 : i32
      %dma_start3A_183 = arith.constant 0 : i32
      %dma_start3A_184 = arith.constant 0 : i32
      %dma_start3A_185 = arith.constant 1 : i32
      %dma_start3A_186 = arith.constant 0 : i32
      %dma_start3A_187 = tpu.memref_slice %arg10[%dma_start3A_182, %dma_start3A_183, %dma_start3A_184, %dma_start3A_185, %dma_start3A_186] : memref<1x1x2x2x64xi32, #tpu.memory_space<vmem>> -> memref<1x1x1x1x64xi32, #tpu.memory_space<vmem>>
      %dma_start3A_188 = tpu.memref_squeeze %dma_start3A_187 : memref<1x1x1x1x64xi32, #tpu.memory_space<vmem>> -> memref<64xi32, #tpu.memory_space<vmem>>
      %dma_start3A_189 = arith.constant 0 : i32
      %dma_start3A_190 = arith.constant 0 : i32
      %dma_start3A_191 = tpu.memref_slice %arg3[%dma_start3A_189, %dma_start3A_190] : memref<20000x144xf32, #tpu.memory_space<hbm>> -> memref<20000x144xf32, #tpu.memory_space<hbm>>
      tpu.enqueue_indirect_dma source(%dma_start3A_191 : memref<20000x144xf32, #tpu.memory_space<hbm>>) target(%arg7 : memref<64x144xf32, #tpu.memory_space<vmem>>) offsets(%dma_start3A_188 : memref<64xi32, #tpu.memory_space<vmem>>) semaphore(%arg14 : memref<!tpu.dma_semaphore, #tpu.memory_space<semaphore_mem>>)
      %dma_start3A_192 = arith.constant 0 : i32
      %dma_start3A_193 = arith.constant 0 : i32
      %dma_start3A_194 = arith.constant 1 : i32
      %dma_start3A_195 = arith.constant 1 : i32
      %dma_start3A_196 = arith.constant 0 : i32
      %dma_start3A_197 = tpu.memref_slice %arg10[%dma_start3A_192, %dma_start3A_193, %dma_start3A_194, %dma_start3A_195, %dma_start3A_196] : memref<1x1x2x2x64xi32, #tpu.memory_space<vmem>> -> memref<1x1x1x1x64xi32, #tpu.memory_space<vmem>>
      %dma_start3A_198 = tpu.memref_squeeze %dma_start3A_197 : memref<1x1x1x1x64xi32, #tpu.memory_space<vmem>> -> memref<64xi32, #tpu.memory_space<vmem>>
      %dma_start3A_199 = arith.constant 0 : i32
      %dma_start3A_200 = arith.constant 0 : i32
      %dma_start3A_201 = tpu.memref_slice %arg3[%dma_start3A_199, %dma_start3A_200] : memref<20000x144xf32, #tpu.memory_space<hbm>> -> memref<20000x144xf32, #tpu.memory_space<hbm>>
      tpu.enqueue_indirect_dma source(%dma_start3A_201 : memref<20000x144xf32, #tpu.memory_space<hbm>>) target(%arg8 : memref<64x144xf32, #tpu.memory_space<vmem>>) offsets(%dma_start3A_198 : memref<64xi32, #tpu.memory_space<vmem>>) semaphore(%arg15 : memref<!tpu.dma_semaphore, #tpu.memory_space<semaphore_mem>>)
      %dma_wait3A_202 = arith.constant 0 : i32
      %dma_wait3A_203 = arith.constant 0 : i32
      %dma_wait3A_204 = arith.constant 0 : i32
      %dma_wait3A_205 = arith.constant 1 : i32
      %dma_wait3A_206 = arith.constant 0 : i32
      %dma_wait3A_207 = tpu.memref_slice %arg9[%dma_wait3A_202, %dma_wait3A_203, %dma_wait3A_204, %dma_wait3A_205, %dma_wait3A_206] : memref<1x1x2x2x64xi32, #tpu.memory_space<vmem>> -> memref<1x1x1x1x64xi32, #tpu.memory_space<vmem>>
      %dma_wait3A_208 = tpu.memref_squeeze %dma_wait3A_207 : memref<1x1x1x1x64xi32, #tpu.memory_space<vmem>> -> memref<64xi32, #tpu.memory_space<vmem>>
      %dma_wait3A_209 = arith.constant 0 : i32
      %dma_wait3A_210 = arith.constant 0 : i32
      %dma_wait3A_211 = tpu.memref_slice %arg3[%dma_wait3A_209, %dma_wait3A_210] : memref<20000x144xf32, #tpu.memory_space<hbm>> -> memref<20000x144xf32, #tpu.memory_space<hbm>>
      tpu.wait_indirect_dma semaphore(%arg12 : memref<!tpu.dma_semaphore, #tpu.memory_space<semaphore_mem>>) src(%dma_wait3A_211 : memref<20000x144xf32, #tpu.memory_space<hbm>>) dst(%arg5 : memref<64x144xf32, #tpu.memory_space<vmem>>)
      %dma_start3A_212 = arith.constant 0 : i32
      %dma_start3A_213 = arith.constant 0 : i32
      %dma_start3A_214 = arith.constant 0 : i32
      %dma_start3A_215 = arith.constant 0 : i32
      %dma_start3A_216 = arith.constant 0 : i32
      %dma_start3A_217 = tpu.memref_slice %arg9[%dma_start3A_212, %dma_start3A_213, %dma_start3A_214, %dma_start3A_215, %dma_start3A_216] : memref<1x1x2x2x64xi32, #tpu.memory_space<vmem>> -> memref<1x1x1x1x64xi32, #tpu.memory_space<vmem>>
      %dma_start3A_218 = tpu.memref_squeeze %dma_start3A_217 : memref<1x1x1x1x64xi32, #tpu.memory_space<vmem>> -> memref<64xi32, #tpu.memory_space<vmem>>
      %dma_start3A_219 = arith.constant 0 : i32
      %dma_start3A_220 = arith.constant 0 : i32
      %dma_start3A_221 = tpu.memref_slice %arg11[%dma_start3A_219, %dma_start3A_220] : memref<10000x144xf32, #tpu.memory_space<vmem_shared>> -> memref<10000x144xf32, #tpu.memory_space<vmem_shared>>
      tpu.enqueue_indirect_dma source(%arg5 : memref<64x144xf32, #tpu.memory_space<vmem>>) target(%dma_start3A_221 : memref<10000x144xf32, #tpu.memory_space<vmem_shared>>) offsets(%dma_start3A_218 : memref<64xi32, #tpu.memory_space<vmem>>) semaphore(%arg16 : memref<!tpu.dma_semaphore, #tpu.memory_space<semaphore_mem>>) {add = true}
      %dma_wait3A_222 = arith.constant 0 : i32
      %dma_wait3A_223 = arith.constant 0 : i32
      %dma_wait3A_224 = arith.constant 1 : i32
      %dma_wait3A_225 = arith.constant 1 : i32
      %dma_wait3A_226 = arith.constant 0 : i32
      %dma_wait3A_227 = tpu.memref_slice %arg9[%dma_wait3A_222, %dma_wait3A_223, %dma_wait3A_224, %dma_wait3A_225, %dma_wait3A_226] : memref<1x1x2x2x64xi32, #tpu.memory_space<vmem>> -> memref<1x1x1x1x64xi32, #tpu.memory_space<vmem>>
      %dma_wait3A_228 = tpu.memref_squeeze %dma_wait3A_227 : memref<1x1x1x1x64xi32, #tpu.memory_space<vmem>> -> memref<64xi32, #tpu.memory_space<vmem>>
      %dma_wait3A_229 = arith.constant 0 : i32
      %dma_wait3A_230 = arith.constant 0 : i32
      %dma_wait3A_231 = tpu.memref_slice %arg3[%dma_wait3A_229, %dma_wait3A_230] : memref<20000x144xf32, #tpu.memory_space<hbm>> -> memref<20000x144xf32, #tpu.memory_space<hbm>>
      tpu.wait_indirect_dma semaphore(%arg13 : memref<!tpu.dma_semaphore, #tpu.memory_space<semaphore_mem>>) src(%dma_wait3A_231 : memref<20000x144xf32, #tpu.memory_space<hbm>>) dst(%arg6 : memref<64x144xf32, #tpu.memory_space<vmem>>)
      %dma_start3A_232 = arith.constant 0 : i32
      %dma_start3A_233 = arith.constant 0 : i32
      %dma_start3A_234 = arith.constant 1 : i32
      %dma_start3A_235 = arith.constant 0 : i32
      %dma_start3A_236 = arith.constant 0 : i32
      %dma_start3A_237 = tpu.memref_slice %arg9[%dma_start3A_232, %dma_start3A_233, %dma_start3A_234, %dma_start3A_235, %dma_start3A_236] : memref<1x1x2x2x64xi32, #tpu.memory_space<vmem>> -> memref<1x1x1x1x64xi32, #tpu.memory_space<vmem>>
      %dma_start3A_238 = tpu.memref_squeeze %dma_start3A_237 : memref<1x1x1x1x64xi32, #tpu.memory_space<vmem>> -> memref<64xi32, #tpu.memory_space<vmem>>
      %dma_start3A_239 = arith.constant 0 : i32
      %dma_start3A_240 = arith.constant 0 : i32
      %dma_start3A_241 = tpu.memref_slice %arg11[%dma_start3A_239, %dma_start3A_240] : memref<10000x144xf32, #tpu.memory_space<vmem_shared>> -> memref<10000x144xf32, #tpu.memory_space<vmem_shared>>
      tpu.enqueue_indirect_dma source(%arg6 : memref<64x144xf32, #tpu.memory_space<vmem>>) target(%dma_start3A_241 : memref<10000x144xf32, #tpu.memory_space<vmem_shared>>) offsets(%dma_start3A_238 : memref<64xi32, #tpu.memory_space<vmem>>) semaphore(%arg17 : memref<!tpu.dma_semaphore, #tpu.memory_space<semaphore_mem>>) {add = true}
      %dma_wait3A_242 = arith.constant 0 : i32
      %dma_wait3A_243 = arith.constant 0 : i32
      %dma_wait3A_244 = arith.constant 0 : i32
      %dma_wait3A_245 = arith.constant 1 : i32
      %dma_wait3A_246 = arith.constant 0 : i32
      %dma_wait3A_247 = tpu.memref_slice %arg10[%dma_wait3A_242, %dma_wait3A_243, %dma_wait3A_244, %dma_wait3A_245, %dma_wait3A_246] : memref<1x1x2x2x64xi32, #tpu.memory_space<vmem>> -> memref<1x1x1x1x64xi32, #tpu.memory_space<vmem>>
      %dma_wait3A_248 = tpu.memref_squeeze %dma_wait3A_247 : memref<1x1x1x1x64xi32, #tpu.memory_space<vmem>> -> memref<64xi32, #tpu.memory_space<vmem>>
      %dma_wait3A_249 = arith.constant 0 : i32
      %dma_wait3A_250 = arith.constant 0 : i32
      %dma_wait3A_251 = tpu.memref_slice %arg3[%dma_wait3A_249, %dma_wait3A_250] : memref<20000x144xf32, #tpu.memory_space<hbm>> -> memref<20000x144xf32, #tpu.memory_space<hbm>>
      tpu.wait_indirect_dma semaphore(%arg14 : memref<!tpu.dma_semaphore, #tpu.memory_space<semaphore_mem>>) src(%dma_wait3A_251 : memref<20000x144xf32, #tpu.memory_space<hbm>>) dst(%arg7 : memref<64x144xf32, #tpu.memory_space<vmem>>)
      %dma_start3A_252 = arith.constant 0 : i32
      %dma_start3A_253 = arith.constant 0 : i32
      %dma_start3A_254 = arith.constant 0 : i32
      %dma_start3A_255 = arith.constant 0 : i32
      %dma_start3A_256 = arith.constant 0 : i32
      %dma_start3A_257 = tpu.memref_slice %arg10[%dma_start3A_252, %dma_start3A_253, %dma_start3A_254, %dma_start3A_255, %dma_start3A_256] : memref<1x1x2x2x64xi32, #tpu.memory_space<vmem>> -> memref<1x1x1x1x64xi32, #tpu.memory_space<vmem>>
      %dma_start3A_258 = tpu.memref_squeeze %dma_start3A_257 : memref<1x1x1x1x64xi32, #tpu.memory_space<vmem>> -> memref<64xi32, #tpu.memory_space<vmem>>
      %dma_start3A_259 = arith.constant 0 : i32
      %dma_start3A_260 = arith.constant 0 : i32
      %dma_start3A_261 = tpu.memref_slice %arg11[%dma_start3A_259, %dma_start3A_260] : memref<10000x144xf32, #tpu.memory_space<vmem_shared>> -> memref<10000x144xf32, #tpu.memory_space<vmem_shared>>
      tpu.enqueue_indirect_dma source(%arg7 : memref<64x144xf32, #tpu.memory_space<vmem>>) target(%dma_start3A_261 : memref<10000x144xf32, #tpu.memory_space<vmem_shared>>) offsets(%dma_start3A_258 : memref<64xi32, #tpu.memory_space<vmem>>) semaphore(%arg18 : memref<!tpu.dma_semaphore, #tpu.memory_space<semaphore_mem>>) {add = true}
      %dma_wait3A_262 = arith.constant 0 : i32
      %dma_wait3A_263 = arith.constant 0 : i32
      %dma_wait3A_264 = arith.constant 1 : i32
      %dma_wait3A_265 = arith.constant 1 : i32
      %dma_wait3A_266 = arith.constant 0 : i32
      %dma_wait3A_267 = tpu.memref_slice %arg10[%dma_wait3A_262, %dma_wait3A_263, %dma_wait3A_264, %dma_wait3A_265, %dma_wait3A_266] : memref<1x1x2x2x64xi32, #tpu.memory_space<vmem>> -> memref<1x1x1x1x64xi32, #tpu.memory_space<vmem>>
      %dma_wait3A_268 = tpu.memref_squeeze %dma_wait3A_267 : memref<1x1x1x1x64xi32, #tpu.memory_space<vmem>> -> memref<64xi32, #tpu.memory_space<vmem>>
      %dma_wait3A_269 = arith.constant 0 : i32
      %dma_wait3A_270 = arith.constant 0 : i32
      %dma_wait3A_271 = tpu.memref_slice %arg3[%dma_wait3A_269, %dma_wait3A_270] : memref<20000x144xf32, #tpu.memory_space<hbm>> -> memref<20000x144xf32, #tpu.memory_space<hbm>>
      tpu.wait_indirect_dma semaphore(%arg15 : memref<!tpu.dma_semaphore, #tpu.memory_space<semaphore_mem>>) src(%dma_wait3A_271 : memref<20000x144xf32, #tpu.memory_space<hbm>>) dst(%arg8 : memref<64x144xf32, #tpu.memory_space<vmem>>)
      %dma_start3A_272 = arith.constant 0 : i32
      %dma_start3A_273 = arith.constant 0 : i32
      %dma_start3A_274 = arith.constant 1 : i32
      %dma_start3A_275 = arith.constant 0 : i32
      %dma_start3A_276 = arith.constant 0 : i32
      %dma_start3A_277 = tpu.memref_slice %arg10[%dma_start3A_272, %dma_start3A_273, %dma_start3A_274, %dma_start3A_275, %dma_start3A_276] : memref<1x1x2x2x64xi32, #tpu.memory_space<vmem>> -> memref<1x1x1x1x64xi32, #tpu.memory_space<vmem>>
      %dma_start3A_278 = tpu.memref_squeeze %dma_start3A_277 : memref<1x1x1x1x64xi32, #tpu.memory_space<vmem>> -> memref<64xi32, #tpu.memory_space<vmem>>
      %dma_start3A_279 = arith.constant 0 : i32
      %dma_start3A_280 = arith.constant 0 : i32
      %dma_start3A_281 = tpu.memref_slice %arg11[%dma_start3A_279, %dma_start3A_280] : memref<10000x144xf32, #tpu.memory_space<vmem_shared>> -> memref<10000x144xf32, #tpu.memory_space<vmem_shared>>
      tpu.enqueue_indirect_dma source(%arg8 : memref<64x144xf32, #tpu.memory_space<vmem>>) target(%dma_start3A_281 : memref<10000x144xf32, #tpu.memory_space<vmem_shared>>) offsets(%dma_start3A_278 : memref<64xi32, #tpu.memory_space<vmem>>) semaphore(%arg19 : memref<!tpu.dma_semaphore, #tpu.memory_space<semaphore_mem>>) {add = true}
    }
    %while3A_58 = arith.constant 1 : i32
    scf.for %while3A_146 = %while3A_56 to %while3A_52 step %while3A_58  : i32 {
      %mul3A_147 = arith.constant 16 : i32
      %mul3A_148 = arith.muli %while3A_146, %mul3A_147 : i32
      %add3A_149 = arith.addi %arg1, %mul3A_148 : i32
      %gt3A = arith.constant 0 : i32
      %gt3A_150 = arith.cmpi sgt, %while3A_146, %gt3A : i32
      %convert_element_type3A = arith.extui %gt3A_150 : i1 to i32
      %cond3A = arith.constant 0 : i32
      %cond3A_151 = arith.cmpi ne, %convert_element_type3A, %cond3A : i32
      scf.if %cond3A_151 {
        %dma_wait3A_282 = arith.constant 0 : i32
        %dma_wait3A_283 = arith.constant 0 : i32
        %dma_wait3A_284 = arith.constant 0 : i32
        %dma_wait3A_285 = arith.constant 0 : i32
        %dma_wait3A_286 = arith.constant 0 : i32
        %dma_wait3A_287 = tpu.memref_slice %arg9[%dma_wait3A_282, %dma_wait3A_283, %dma_wait3A_284, %dma_wait3A_285, %dma_wait3A_286] : memref<1x1x2x2x64xi32, #tpu.memory_space<vmem>> -> memref<1x1x1x1x64xi32, #tpu.memory_space<vmem>>
        %dma_wait3A_288 = tpu.memref_squeeze %dma_wait3A_287 : memref<1x1x1x1x64xi32, #tpu.memory_space<vmem>> -> memref<64xi32, #tpu.memory_space<vmem>>
        %dma_wait3A_289 = arith.constant 0 : i32
        %dma_wait3A_290 = arith.constant 0 : i32
        %dma_wait3A_291 = tpu.memref_slice %arg11[%dma_wait3A_289, %dma_wait3A_290] : memref<10000x144xf32, #tpu.memory_space<vmem_shared>> -> memref<10000x144xf32, #tpu.memory_space<vmem_shared>>
        tpu.wait_indirect_dma semaphore(%arg16 : memref<!tpu.dma_semaphore, #tpu.memory_space<semaphore_mem>>) src(%arg5 : memref<64x144xf32, #tpu.memory_space<vmem>>) dst(%dma_wait3A_291 : memref<10000x144xf32, #tpu.memory_space<vmem_shared>>)
        %dma_wait3A_292 = arith.constant 0 : i32
        %dma_wait3A_293 = arith.constant 0 : i32
        %dma_wait3A_294 = arith.constant 1 : i32
        %dma_wait3A_295 = arith.constant 0 : i32
        %dma_wait3A_296 = arith.constant 0 : i32
        %dma_wait3A_297 = tpu.memref_slice %arg9[%dma_wait3A_292, %dma_wait3A_293, %dma_wait3A_294, %dma_wait3A_295, %dma_wait3A_296] : memref<1x1x2x2x64xi32, #tpu.memory_space<vmem>> -> memref<1x1x1x1x64xi32, #tpu.memory_space<vmem>>
        %dma_wait3A_298 = tpu.memref_squeeze %dma_wait3A_297 : memref<1x1x1x1x64xi32, #tpu.memory_space<vmem>> -> memref<64xi32, #tpu.memory_space<vmem>>
        %dma_wait3A_299 = arith.constant 0 : i32
        %dma_wait3A_300 = arith.constant 0 : i32
        %dma_wait3A_301 = tpu.memref_slice %arg11[%dma_wait3A_299, %dma_wait3A_300] : memref<10000x144xf32, #tpu.memory_space<vmem_shared>> -> memref<10000x144xf32, #tpu.memory_space<vmem_shared>>
        tpu.wait_indirect_dma semaphore(%arg17 : memref<!tpu.dma_semaphore, #tpu.memory_space<semaphore_mem>>) src(%arg6 : memref<64x144xf32, #tpu.memory_space<vmem>>) dst(%dma_wait3A_301 : memref<10000x144xf32, #tpu.memory_space<vmem_shared>>)
      } else {
      }
      %mul3A_152 = arith.constant 2 : i32
      %mul3A_153 = arith.muli %mul3A_152, %add3A_149 : i32
      "tpu.region"() ({
        %run_scoped3A = tpu.sem_alloc : memref<!tpu.dma_semaphore, #tpu.memory_space<semaphore_mem>>
        %dma_start3A_282 = arith.constant 0 : i32
        %dma_start3A_283 = arith.constant 0 : i32
        %dma_start3A_284 = arith.constant 0 : i32
        %dma_start3A_285 = tpu.memref_slice %arg2[%arg0, %mul3A_153, %dma_start3A_282, %dma_start3A_283, %dma_start3A_284] : memref<2x2500x2x2x64xi32, #tpu.memory_space<hbm>> -> memref<1x1x2x2x64xi32, #tpu.memory_space<hbm>>
        %dma_start3A_286 = arith.constant 0 : i32
        %dma_start3A_287 = arith.constant 0 : i32
        %dma_start3A_288 = arith.constant 0 : i32
        %dma_start3A_289 = tpu.memref_slice %arg2[%arg0, %mul3A_153, %dma_start3A_286, %dma_start3A_287, %dma_start3A_288] : memref<2x2500x2x2x64xi32, #tpu.memory_space<hbm>> -> memref<1x1x2x2x64xi32, #tpu.memory_space<hbm>>
        tpu.enqueue_dma source(%dma_start3A_289 : memref<1x1x2x2x64xi32, #tpu.memory_space<hbm>>) target(%arg9 : memref<1x1x2x2x64xi32, #tpu.memory_space<vmem>>) target_semaphore(%run_scoped3A : memref<!tpu.dma_semaphore, #tpu.memory_space<semaphore_mem>>)
        %dma_wait3A_290 = arith.constant 0 : i32
        %dma_wait3A_291 = arith.constant 0 : i32
        %dma_wait3A_292 = arith.constant 0 : i32
        %dma_wait3A_293 = tpu.memref_slice %arg2[%arg0, %mul3A_153, %dma_wait3A_290, %dma_wait3A_291, %dma_wait3A_292] : memref<2x2500x2x2x64xi32, #tpu.memory_space<hbm>> -> memref<1x1x2x2x64xi32, #tpu.memory_space<hbm>>
        %dma_wait3A_294 = arith.constant 0 : i32
        %dma_wait3A_295 = arith.constant 0 : i32
        %dma_wait3A_296 = arith.constant 0 : i32
        %dma_wait3A_297 = tpu.memref_slice %arg2[%arg0, %mul3A_153, %dma_wait3A_294, %dma_wait3A_295, %dma_wait3A_296] : memref<2x2500x2x2x64xi32, #tpu.memory_space<hbm>> -> memref<1x1x2x2x64xi32, #tpu.memory_space<hbm>>
        tpu.wait_dma2 semaphore(%run_scoped3A : memref<!tpu.dma_semaphore, #tpu.memory_space<semaphore_mem>>) src(%dma_wait3A_297 : memref<1x1x2x2x64xi32, #tpu.memory_space<hbm>>) dst(%arg9 : memref<1x1x2x2x64xi32, #tpu.memory_space<vmem>>)
        tpu.yield
      }) : () -> ()
      %dma_start3A = arith.constant 0 : i32
      %dma_start3A_154 = arith.constant 0 : i32
      %dma_start3A_155 = arith.constant 0 : i32
      %dma_start3A_156 = arith.constant 1 : i32
      %dma_start3A_157 = arith.constant 0 : i32
      %dma_start3A_158 = tpu.memref_slice %arg9[%dma_start3A, %dma_start3A_154, %dma_start3A_155, %dma_start3A_156, %dma_start3A_157] : memref<1x1x2x2x64xi32, #tpu.memory_space<vmem>> -> memref<1x1x1x1x64xi32, #tpu.memory_space<vmem>>
      %dma_start3A_159 = tpu.memref_squeeze %dma_start3A_158 : memref<1x1x1x1x64xi32, #tpu.memory_space<vmem>> -> memref<64xi32, #tpu.memory_space<vmem>>
      %dma_start3A_160 = arith.constant 0 : i32
      %dma_start3A_161 = arith.constant 0 : i32
      %dma_start3A_162 = tpu.memref_slice %arg3[%dma_start3A_160, %dma_start3A_161] : memref<20000x144xf32, #tpu.memory_space<hbm>> -> memref<20000x144xf32, #tpu.memory_space<hbm>>
      tpu.enqueue_indirect_dma source(%dma_start3A_162 : memref<20000x144xf32, #tpu.memory_space<hbm>>) target(%arg5 : memref<64x144xf32, #tpu.memory_space<vmem>>) offsets(%dma_start3A_159 : memref<64xi32, #tpu.memory_space<vmem>>) semaphore(%arg12 : memref<!tpu.dma_semaphore, #tpu.memory_space<semaphore_mem>>)
      %dma_start3A_163 = arith.constant 0 : i32
      %dma_start3A_164 = arith.constant 0 : i32
      %dma_start3A_165 = arith.constant 1 : i32
      %dma_start3A_166 = arith.constant 1 : i32
      %dma_start3A_167 = arith.constant 0 : i32
      %dma_start3A_168 = tpu.memref_slice %arg9[%dma_start3A_163, %dma_start3A_164, %dma_start3A_165, %dma_start3A_166, %dma_start3A_167] : memref<1x1x2x2x64xi32, #tpu.memory_space<vmem>> -> memref<1x1x1x1x64xi32, #tpu.memory_space<vmem>>
      %dma_start3A_169 = tpu.memref_squeeze %dma_start3A_168 : memref<1x1x1x1x64xi32, #tpu.memory_space<vmem>> -> memref<64xi32, #tpu.memory_space<vmem>>
      %dma_start3A_170 = arith.constant 0 : i32
      %dma_start3A_171 = arith.constant 0 : i32
      %dma_start3A_172 = tpu.memref_slice %arg3[%dma_start3A_170, %dma_start3A_171] : memref<20000x144xf32, #tpu.memory_space<hbm>> -> memref<20000x144xf32, #tpu.memory_space<hbm>>
      tpu.enqueue_indirect_dma source(%dma_start3A_172 : memref<20000x144xf32, #tpu.memory_space<hbm>>) target(%arg6 : memref<64x144xf32, #tpu.memory_space<vmem>>) offsets(%dma_start3A_169 : memref<64xi32, #tpu.memory_space<vmem>>) semaphore(%arg13 : memref<!tpu.dma_semaphore, #tpu.memory_space<semaphore_mem>>)
      %gt3A_173 = arith.constant 0 : i32
      %gt3A_174 = arith.cmpi sgt, %while3A_146, %gt3A_173 : i32
      %convert_element_type3A_175 = arith.extui %gt3A_174 : i1 to i32
      %cond3A_176 = arith.constant 0 : i32
      %cond3A_177 = arith.cmpi ne, %convert_element_type3A_175, %cond3A_176 : i32
      scf.if %cond3A_177 {
        %dma_wait3A_282 = arith.constant 0 : i32
        %dma_wait3A_283 = arith.constant 0 : i32
        %dma_wait3A_284 = arith.constant 0 : i32
        %dma_wait3A_285 = arith.constant 0 : i32
        %dma_wait3A_286 = arith.constant 0 : i32
        %dma_wait3A_287 = tpu.memref_slice %arg10[%dma_wait3A_282, %dma_wait3A_283, %dma_wait3A_284, %dma_wait3A_285, %dma_wait3A_286] : memref<1x1x2x2x64xi32, #tpu.memory_space<vmem>> -> memref<1x1x1x1x64xi32, #tpu.memory_space<vmem>>
        %dma_wait3A_288 = tpu.memref_squeeze %dma_wait3A_287 : memref<1x1x1x1x64xi32, #tpu.memory_space<vmem>> -> memref<64xi32, #tpu.memory_space<vmem>>
        %dma_wait3A_289 = arith.constant 0 : i32
        %dma_wait3A_290 = arith.constant 0 : i32
        %dma_wait3A_291 = tpu.memref_slice %arg11[%dma_wait3A_289, %dma_wait3A_290] : memref<10000x144xf32, #tpu.memory_space<vmem_shared>> -> memref<10000x144xf32, #tpu.memory_space<vmem_shared>>
        tpu.wait_indirect_dma semaphore(%arg18 : memref<!tpu.dma_semaphore, #tpu.memory_space<semaphore_mem>>) src(%arg7 : memref<64x144xf32, #tpu.memory_space<vmem>>) dst(%dma_wait3A_291 : memref<10000x144xf32, #tpu.memory_space<vmem_shared>>)
        %dma_wait3A_292 = arith.constant 0 : i32
        %dma_wait3A_293 = arith.constant 0 : i32
        %dma_wait3A_294 = arith.constant 1 : i32
        %dma_wait3A_295 = arith.constant 0 : i32
        %dma_wait3A_296 = arith.constant 0 : i32
        %dma_wait3A_297 = tpu.memref_slice %arg10[%dma_wait3A_292, %dma_wait3A_293, %dma_wait3A_294, %dma_wait3A_295, %dma_wait3A_296] : memref<1x1x2x2x64xi32, #tpu.memory_space<vmem>> -> memref<1x1x1x1x64xi32, #tpu.memory_space<vmem>>
        %dma_wait3A_298 = tpu.memref_squeeze %dma_wait3A_297 : memref<1x1x1x1x64xi32, #tpu.memory_space<vmem>> -> memref<64xi32, #tpu.memory_space<vmem>>
        %dma_wait3A_299 = arith.constant 0 : i32
        %dma_wait3A_300 = arith.constant 0 : i32
        %dma_wait3A_301 = tpu.memref_slice %arg11[%dma_wait3A_299, %dma_wait3A_300] : memref<10000x144xf32, #tpu.memory_space<vmem_shared>> -> memref<10000x144xf32, #tpu.memory_space<vmem_shared>>
        tpu.wait_indirect_dma semaphore(%arg19 : memref<!tpu.dma_semaphore, #tpu.memory_space<semaphore_mem>>) src(%arg8 : memref<64x144xf32, #tpu.memory_space<vmem>>) dst(%dma_wait3A_301 : memref<10000x144xf32, #tpu.memory_space<vmem_shared>>)
      } else {
      }
      %mul3A_178 = arith.constant 2 : i32
      %mul3A_179 = arith.muli %mul3A_178, %add3A_149 : i32
      %add3A_180 = arith.constant 1 : i32
      %add3A_181 = arith.addi %mul3A_179, %add3A_180 : i32
      "tpu.region"() ({
        %run_scoped3A = tpu.sem_alloc : memref<!tpu.dma_semaphore, #tpu.memory_space<semaphore_mem>>
        %dma_start3A_282 = arith.constant 0 : i32
        %dma_start3A_283 = arith.constant 0 : i32
        %dma_start3A_284 = arith.constant 0 : i32
        %dma_start3A_285 = tpu.memref_slice %arg2[%arg0, %add3A_181, %dma_start3A_282, %dma_start3A_283, %dma_start3A_284] : memref<2x2500x2x2x64xi32, #tpu.memory_space<hbm>> -> memref<1x1x2x2x64xi32, #tpu.memory_space<hbm>>
        %dma_start3A_286 = arith.constant 0 : i32
        %dma_start3A_287 = arith.constant 0 : i32
        %dma_start3A_288 = arith.constant 0 : i32
        %dma_start3A_289 = tpu.memref_slice %arg2[%arg0, %add3A_181, %dma_start3A_286, %dma_start3A_287, %dma_start3A_288] : memref<2x2500x2x2x64xi32, #tpu.memory_space<hbm>> -> memref<1x1x2x2x64xi32, #tpu.memory_space<hbm>>
        tpu.enqueue_dma source(%dma_start3A_289 : memref<1x1x2x2x64xi32, #tpu.memory_space<hbm>>) target(%arg10 : memref<1x1x2x2x64xi32, #tpu.memory_space<vmem>>) target_semaphore(%run_scoped3A : memref<!tpu.dma_semaphore, #tpu.memory_space<semaphore_mem>>)
        %dma_wait3A_290 = arith.constant 0 : i32
        %dma_wait3A_291 = arith.constant 0 : i32
        %dma_wait3A_292 = arith.constant 0 : i32
        %dma_wait3A_293 = tpu.memref_slice %arg2[%arg0, %add3A_181, %dma_wait3A_290, %dma_wait3A_291, %dma_wait3A_292] : memref<2x2500x2x2x64xi32, #tpu.memory_space<hbm>> -> memref<1x1x2x2x64xi32, #tpu.memory_space<hbm>>
        %dma_wait3A_294 = arith.constant 0 : i32
        %dma_wait3A_295 = arith.constant 0 : i32
        %dma_wait3A_296 = arith.constant 0 : i32
        %dma_wait3A_297 = tpu.memref_slice %arg2[%arg0, %add3A_181, %dma_wait3A_294, %dma_wait3A_295, %dma_wait3A_296] : memref<2x2500x2x2x64xi32, #tpu.memory_space<hbm>> -> memref<1x1x2x2x64xi32, #tpu.memory_space<hbm>>
        tpu.wait_dma2 semaphore(%run_scoped3A : memref<!tpu.dma_semaphore, #tpu.memory_space<semaphore_mem>>) src(%dma_wait3A_297 : memref<1x1x2x2x64xi32, #tpu.memory_space<hbm>>) dst(%arg10 : memref<1x1x2x2x64xi32, #tpu.memory_space<vmem>>)
        tpu.yield
      }) : () -> ()
      %dma_start3A_182 = arith.constant 0 : i32
      %dma_start3A_183 = arith.constant 0 : i32
      %dma_start3A_184 = arith.constant 0 : i32
      %dma_start3A_185 = arith.constant 1 : i32
      %dma_start3A_186 = arith.constant 0 : i32
      %dma_start3A_187 = tpu.memref_slice %arg10[%dma_start3A_182, %dma_start3A_183, %dma_start3A_184, %dma_start3A_185, %dma_start3A_186] : memref<1x1x2x2x64xi32, #tpu.memory_space<vmem>> -> memref<1x1x1x1x64xi32, #tpu.memory_space<vmem>>
      %dma_start3A_188 = tpu.memref_squeeze %dma_start3A_187 : memref<1x1x1x1x64xi32, #tpu.memory_space<vmem>> -> memref<64xi32, #tpu.memory_space<vmem>>
      %dma_start3A_189 = arith.constant 0 : i32
      %dma_start3A_190 = arith.constant 0 : i32
      %dma_start3A_191 = tpu.memref_slice %arg3[%dma_start3A_189, %dma_start3A_190] : memref<20000x144xf32, #tpu.memory_space<hbm>> -> memref<20000x144xf32, #tpu.memory_space<hbm>>
      tpu.enqueue_indirect_dma source(%dma_start3A_191 : memref<20000x144xf32, #tpu.memory_space<hbm>>) target(%arg7 : memref<64x144xf32, #tpu.memory_space<vmem>>) offsets(%dma_start3A_188 : memref<64xi32, #tpu.memory_space<vmem>>) semaphore(%arg14 : memref<!tpu.dma_semaphore, #tpu.memory_space<semaphore_mem>>)
      %dma_start3A_192 = arith.constant 0 : i32
      %dma_start3A_193 = arith.constant 0 : i32
      %dma_start3A_194 = arith.constant 1 : i32
      %dma_start3A_195 = arith.constant 1 : i32
      %dma_start3A_196 = arith.constant 0 : i32
      %dma_start3A_197 = tpu.memref_slice %arg10[%dma_start3A_192, %dma_start3A_193, %dma_start3A_194, %dma_start3A_195, %dma_start3A_196] : memref<1x1x2x2x64xi32, #tpu.memory_space<vmem>> -> memref<1x1x1x1x64xi32, #tpu.memory_space<vmem>>
      %dma_start3A_198 = tpu.memref_squeeze %dma_start3A_197 : memref<1x1x1x1x64xi32, #tpu.memory_space<vmem>> -> memref<64xi32, #tpu.memory_space<vmem>>
      %dma_start3A_199 = arith.constant 0 : i32
      %dma_start3A_200 = arith.constant 0 : i32
      %dma_start3A_201 = tpu.memref_slice %arg3[%dma_start3A_199, %dma_start3A_200] : memref<20000x144xf32, #tpu.memory_space<hbm>> -> memref<20000x144xf32, #tpu.memory_space<hbm>>
      tpu.enqueue_indirect_dma source(%dma_start3A_201 : memref<20000x144xf32, #tpu.memory_space<hbm>>) target(%arg8 : memref<64x144xf32, #tpu.memory_space<vmem>>) offsets(%dma_start3A_198 : memref<64xi32, #tpu.memory_space<vmem>>) semaphore(%arg15 : memref<!tpu.dma_semaphore, #tpu.memory_space<semaphore_mem>>)
      %dma_wait3A_202 = arith.constant 0 : i32
      %dma_wait3A_203 = arith.constant 0 : i32
      %dma_wait3A_204 = arith.constant 0 : i32
      %dma_wait3A_205 = arith.constant 1 : i32
      %dma_wait3A_206 = arith.constant 0 : i32
      %dma_wait3A_207 = tpu.memref_slice %arg9[%dma_wait3A_202, %dma_wait3A_203, %dma_wait3A_204, %dma_wait3A_205, %dma_wait3A_206] : memref<1x1x2x2x64xi32, #tpu.memory_space<vmem>> -> memref<1x1x1x1x64xi32, #tpu.memory_space<vmem>>
      %dma_wait3A_208 = tpu.memref_squeeze %dma_wait3A_207 : memref<1x1x1x1x64xi32, #tpu.memory_space<vmem>> -> memref<64xi32, #tpu.memory_space<vmem>>
      %dma_wait3A_209 = arith.constant 0 : i32
      %dma_wait3A_210 = arith.constant 0 : i32
      %dma_wait3A_211 = tpu.memref_slice %arg3[%dma_wait3A_209, %dma_wait3A_210] : memref<20000x144xf32, #tpu.memory_space<hbm>> -> memref<20000x144xf32, #tpu.memory_space<hbm>>
      tpu.wait_indirect_dma semaphore(%arg12 : memref<!tpu.dma_semaphore, #tpu.memory_space<semaphore_mem>>) src(%dma_wait3A_211 : memref<20000x144xf32, #tpu.memory_space<hbm>>) dst(%arg5 : memref<64x144xf32, #tpu.memory_space<vmem>>)
      %dma_start3A_212 = arith.constant 0 : i32
      %dma_start3A_213 = arith.constant 0 : i32
      %dma_start3A_214 = arith.constant 0 : i32
      %dma_start3A_215 = arith.constant 0 : i32
      %dma_start3A_216 = arith.constant 0 : i32
      %dma_start3A_217 = tpu.memref_slice %arg9[%dma_start3A_212, %dma_start3A_213, %dma_start3A_214, %dma_start3A_215, %dma_start3A_216] : memref<1x1x2x2x64xi32, #tpu.memory_space<vmem>> -> memref<1x1x1x1x64xi32, #tpu.memory_space<vmem>>
      %dma_start3A_218 = tpu.memref_squeeze %dma_start3A_217 : memref<1x1x1x1x64xi32, #tpu.memory_space<vmem>> -> memref<64xi32, #tpu.memory_space<vmem>>
      %dma_start3A_219 = arith.constant 0 : i32
      %dma_start3A_220 = arith.constant 0 : i32
      %dma_start3A_221 = tpu.memref_slice %arg11[%dma_start3A_219, %dma_start3A_220] : memref<10000x144xf32, #tpu.memory_space<vmem_shared>> -> memref<10000x144xf32, #tpu.memory_space<vmem_shared>>
      tpu.enqueue_indirect_dma source(%arg5 : memref<64x144xf32, #tpu.memory_space<vmem>>) target(%dma_start3A_221 : memref<10000x144xf32, #tpu.memory_space<vmem_shared>>) offsets(%dma_start3A_218 : memref<64xi32, #tpu.memory_space<vmem>>) semaphore(%arg16 : memref<!tpu.dma_semaphore, #tpu.memory_space<semaphore_mem>>) {add = true}
      %dma_wait3A_222 = arith.constant 0 : i32
      %dma_wait3A_223 = arith.constant 0 : i32
      %dma_wait3A_224 = arith.constant 1 : i32
      %dma_wait3A_225 = arith.constant 1 : i32
      %dma_wait3A_226 = arith.constant 0 : i32
      %dma_wait3A_227 = tpu.memref_slice %arg9[%dma_wait3A_222, %dma_wait3A_223, %dma_wait3A_224, %dma_wait3A_225, %dma_wait3A_226] : memref<1x1x2x2x64xi32, #tpu.memory_space<vmem>> -> memref<1x1x1x1x64xi32, #tpu.memory_space<vmem>>
      %dma_wait3A_228 = tpu.memref_squeeze %dma_wait3A_227 : memref<1x1x1x1x64xi32, #tpu.memory_space<vmem>> -> memref<64xi32, #tpu.memory_space<vmem>>
      %dma_wait3A_229 = arith.constant 0 : i32
      %dma_wait3A_230 = arith.constant 0 : i32
      %dma_wait3A_231 = tpu.memref_slice %arg3[%dma_wait3A_229, %dma_wait3A_230] : memref<20000x144xf32, #tpu.memory_space<hbm>> -> memref<20000x144xf32, #tpu.memory_space<hbm>>
      tpu.wait_indirect_dma semaphore(%arg13 : memref<!tpu.dma_semaphore, #tpu.memory_space<semaphore_mem>>) src(%dma_wait3A_231 : memref<20000x144xf32, #tpu.memory_space<hbm>>) dst(%arg6 : memref<64x144xf32, #tpu.memory_space<vmem>>)
      %dma_start3A_232 = arith.constant 0 : i32
      %dma_start3A_233 = arith.constant 0 : i32
      %dma_start3A_234 = arith.constant 1 : i32
      %dma_start3A_235 = arith.constant 0 : i32
      %dma_start3A_236 = arith.constant 0 : i32
      %dma_start3A_237 = tpu.memref_slice %arg9[%dma_start3A_232, %dma_start3A_233, %dma_start3A_234, %dma_start3A_235, %dma_start3A_236] : memref<1x1x2x2x64xi32, #tpu.memory_space<vmem>> -> memref<1x1x1x1x64xi32, #tpu.memory_space<vmem>>
      %dma_start3A_238 = tpu.memref_squeeze %dma_start3A_237 : memref<1x1x1x1x64xi32, #tpu.memory_space<vmem>> -> memref<64xi32, #tpu.memory_space<vmem>>
      %dma_start3A_239 = arith.constant 0 : i32
      %dma_start3A_240 = arith.constant 0 : i32
      %dma_start3A_241 = tpu.memref_slice %arg11[%dma_start3A_239, %dma_start3A_240] : memref<10000x144xf32, #tpu.memory_space<vmem_shared>> -> memref<10000x144xf32, #tpu.memory_space<vmem_shared>>
      tpu.enqueue_indirect_dma source(%arg6 : memref<64x144xf32, #tpu.memory_space<vmem>>) target(%dma_start3A_241 : memref<10000x144xf32, #tpu.memory_space<vmem_shared>>) offsets(%dma_start3A_238 : memref<64xi32, #tpu.memory_space<vmem>>) semaphore(%arg17 : memref<!tpu.dma_semaphore, #tpu.memory_space<semaphore_mem>>) {add = true}
      %dma_wait3A_242 = arith.constant 0 : i32
      %dma_wait3A_243 = arith.constant 0 : i32
      %dma_wait3A_244 = arith.constant 0 : i32
      %dma_wait3A_245 = arith.constant 1 : i32
      %dma_wait3A_246 = arith.constant 0 : i32
      %dma_wait3A_247 = tpu.memref_slice %arg10[%dma_wait3A_242, %dma_wait3A_243, %dma_wait3A_244, %dma_wait3A_245, %dma_wait3A_246] : memref<1x1x2x2x64xi32, #tpu.memory_space<vmem>> -> memref<1x1x1x1x64xi32, #tpu.memory_space<vmem>>
      %dma_wait3A_248 = tpu.memref_squeeze %dma_wait3A_247 : memref<1x1x1x1x64xi32, #tpu.memory_space<vmem>> -> memref<64xi32, #tpu.memory_space<vmem>>
      %dma_wait3A_249 = arith.constant 0 : i32
      %dma_wait3A_250 = arith.constant 0 : i32
      %dma_wait3A_251 = tpu.memref_slice %arg3[%dma_wait3A_249, %dma_wait3A_250] : memref<20000x144xf32, #tpu.memory_space<hbm>> -> memref<20000x144xf32, #tpu.memory_space<hbm>>
      tpu.wait_indirect_dma semaphore(%arg14 : memref<!tpu.dma_semaphore, #tpu.memory_space<semaphore_mem>>) src(%dma_wait3A_251 : memref<20000x144xf32, #tpu.memory_space<hbm>>) dst(%arg7 : memref<64x144xf32, #tpu.memory_space<vmem>>)
      %dma_start3A_252 = arith.constant 0 : i32
      %dma_start3A_253 = arith.constant 0 : i32
      %dma_start3A_254 = arith.constant 0 : i32
      %dma_start3A_255 = arith.constant 0 : i32
      %dma_start3A_256 = arith.constant 0 : i32
      %dma_start3A_257 = tpu.memref_slice %arg10[%dma_start3A_252, %dma_start3A_253, %dma_start3A_254, %dma_start3A_255, %dma_start3A_256] : memref<1x1x2x2x64xi32, #tpu.memory_space<vmem>> -> memref<1x1x1x1x64xi32, #tpu.memory_space<vmem>>
      %dma_start3A_258 = tpu.memref_squeeze %dma_start3A_257 : memref<1x1x1x1x64xi32, #tpu.memory_space<vmem>> -> memref<64xi32, #tpu.memory_space<vmem>>
      %dma_start3A_259 = arith.constant 0 : i32
      %dma_start3A_260 = arith.constant 0 : i32
      %dma_start3A_261 = tpu.memref_slice %arg11[%dma_start3A_259, %dma_start3A_260] : memref<10000x144xf32, #tpu.memory_space<vmem_shared>> -> memref<10000x144xf32, #tpu.memory_space<vmem_shared>>
      tpu.enqueue_indirect_dma source(%arg7 : memref<64x144xf32, #tpu.memory_space<vmem>>) target(%dma_start3A_261 : memref<10000x144xf32, #tpu.memory_space<vmem_shared>>) offsets(%dma_start3A_258 : memref<64xi32, #tpu.memory_space<vmem>>) semaphore(%arg18 : memref<!tpu.dma_semaphore, #tpu.memory_space<semaphore_mem>>) {add = true}
      %dma_wait3A_262 = arith.constant 0 : i32
      %dma_wait3A_263 = arith.constant 0 : i32
      %dma_wait3A_264 = arith.constant 1 : i32
      %dma_wait3A_265 = arith.constant 1 : i32
      %dma_wait3A_266 = arith.constant 0 : i32
      %dma_wait3A_267 = tpu.memref_slice %arg10[%dma_wait3A_262, %dma_wait3A_263, %dma_wait3A_264, %dma_wait3A_265, %dma_wait3A_266] : memref<1x1x2x2x64xi32, #tpu.memory_space<vmem>> -> memref<1x1x1x1x64xi32, #tpu.memory_space<vmem>>
      %dma_wait3A_268 = tpu.memref_squeeze %dma_wait3A_267 : memref<1x1x1x1x64xi32, #tpu.memory_space<vmem>> -> memref<64xi32, #tpu.memory_space<vmem>>
      %dma_wait3A_269 = arith.constant 0 : i32
      %dma_wait3A_270 = arith.constant 0 : i32
      %dma_wait3A_271 = tpu.memref_slice %arg3[%dma_wait3A_269, %dma_wait3A_270] : memref<20000x144xf32, #tpu.memory_space<hbm>> -> memref<20000x144xf32, #tpu.memory_space<hbm>>
      tpu.wait_indirect_dma semaphore(%arg15 : memref<!tpu.dma_semaphore, #tpu.memory_space<semaphore_mem>>) src(%dma_wait3A_271 : memref<20000x144xf32, #tpu.memory_space<hbm>>) dst(%arg8 : memref<64x144xf32, #tpu.memory_space<vmem>>)
      %dma_start3A_272 = arith.constant 0 : i32
      %dma_start3A_273 = arith.constant 0 : i32
      %dma_start3A_274 = arith.constant 1 : i32
      %dma_start3A_275 = arith.constant 0 : i32
      %dma_start3A_276 = arith.constant 0 : i32
      %dma_start3A_277 = tpu.memref_slice %arg10[%dma_start3A_272, %dma_start3A_273, %dma_start3A_274, %dma_start3A_275, %dma_start3A_276] : memref<1x1x2x2x64xi32, #tpu.memory_space<vmem>> -> memref<1x1x1x1x64xi32, #tpu.memory_space<vmem>>
      %dma_start3A_278 = tpu.memref_squeeze %dma_start3A_277 : memref<1x1x1x1x64xi32, #tpu.memory_space<vmem>> -> memref<64xi32, #tpu.memory_space<vmem>>
      %dma_start3A_279 = arith.constant 0 : i32
      %dma_start3A_280 = arith.constant 0 : i32
      %dma_start3A_281 = tpu.memref_slice %arg11[%dma_start3A_279, %dma_start3A_280] : memref<10000x144xf32, #tpu.memory_space<vmem_shared>> -> memref<10000x144xf32, #tpu.memory_space<vmem_shared>>
      tpu.enqueue_indirect_dma source(%arg8 : memref<64x144xf32, #tpu.memory_space<vmem>>) target(%dma_start3A_281 : memref<10000x144xf32, #tpu.memory_space<vmem_shared>>) offsets(%dma_start3A_278 : memref<64xi32, #tpu.memory_space<vmem>>) semaphore(%arg19 : memref<!tpu.dma_semaphore, #tpu.memory_space<semaphore_mem>>) {add = true}
    }
    %dma_wait3A = arith.constant 0 : i32
    %dma_wait3A_59 = arith.constant 0 : i32
    %dma_wait3A_60 = arith.constant 0 : i32
    %dma_wait3A_61 = arith.constant 0 : i32
    %dma_wait3A_62 = arith.constant 0 : i32
    %dma_wait3A_63 = tpu.memref_slice %arg9[%dma_wait3A, %dma_wait3A_59, %dma_wait3A_60, %dma_wait3A_61, %dma_wait3A_62] : memref<1x1x2x2x64xi32, #tpu.memory_space<vmem>> -> memref<1x1x1x1x64xi32, #tpu.memory_space<vmem>>
    %dma_wait3A_64 = tpu.memref_squeeze %dma_wait3A_63 : memref<1x1x1x1x64xi32, #tpu.memory_space<vmem>> -> memref<64xi32, #tpu.memory_space<vmem>>
    %dma_wait3A_65 = arith.constant 0 : i32
    %dma_wait3A_66 = arith.constant 0 : i32
    %dma_wait3A_67 = tpu.memref_slice %arg11[%dma_wait3A_65, %dma_wait3A_66] : memref<10000x144xf32, #tpu.memory_space<vmem_shared>> -> memref<10000x144xf32, #tpu.memory_space<vmem_shared>>
    tpu.wait_indirect_dma semaphore(%arg16 : memref<!tpu.dma_semaphore, #tpu.memory_space<semaphore_mem>>) src(%arg5 : memref<64x144xf32, #tpu.memory_space<vmem>>) dst(%dma_wait3A_67 : memref<10000x144xf32, #tpu.memory_space<vmem_shared>>)
    %dma_wait3A_68 = arith.constant 0 : i32
    %dma_wait3A_69 = arith.constant 0 : i32
    %dma_wait3A_70 = arith.constant 1 : i32
    %dma_wait3A_71 = arith.constant 0 : i32
    %dma_wait3A_72 = arith.constant 0 : i32
    %dma_wait3A_73 = tpu.memref_slice %arg9[%dma_wait3A_68, %dma_wait3A_69, %dma_wait3A_70, %dma_wait3A_71, %dma_wait3A_72] : memref<1x1x2x2x64xi32, #tpu.memory_space<vmem>> -> memref<1x1x1x1x64xi32, #tpu.memory_space<vmem>>
    %dma_wait3A_74 = tpu.memref_squeeze %dma_wait3A_73 : memref<1x1x1x1x64xi32, #tpu.memory_space<vmem>> -> memref<64xi32, #tpu.memory_space<vmem>>
    %dma_wait3A_75 = arith.constant 0 : i32
    %dma_wait3A_76 = arith.constant 0 : i32
    %dma_wait3A_77 = tpu.memref_slice %arg11[%dma_wait3A_75, %dma_wait3A_76] : memref<10000x144xf32, #tpu.memory_space<vmem_shared>> -> memref<10000x144xf32, #tpu.memory_space<vmem_shared>>
    tpu.wait_indirect_dma semaphore(%arg17 : memref<!tpu.dma_semaphore, #tpu.memory_space<semaphore_mem>>) src(%arg6 : memref<64x144xf32, #tpu.memory_space<vmem>>) dst(%dma_wait3A_77 : memref<10000x144xf32, #tpu.memory_space<vmem_shared>>)
    %dma_wait3A_78 = arith.constant 0 : i32
    %dma_wait3A_79 = arith.constant 0 : i32
    %dma_wait3A_80 = arith.constant 0 : i32
    %dma_wait3A_81 = arith.constant 0 : i32
    %dma_wait3A_82 = arith.constant 0 : i32
    %dma_wait3A_83 = tpu.memref_slice %arg10[%dma_wait3A_78, %dma_wait3A_79, %dma_wait3A_80, %dma_wait3A_81, %dma_wait3A_82] : memref<1x1x2x2x64xi32, #tpu.memory_space<vmem>> -> memref<1x1x1x1x64xi32, #tpu.memory_space<vmem>>
    %dma_wait3A_84 = tpu.memref_squeeze %dma_wait3A_83 : memref<1x1x1x1x64xi32, #tpu.memory_space<vmem>> -> memref<64xi32, #tpu.memory_space<vmem>>
    %dma_wait3A_85 = arith.constant 0 : i32
    %dma_wait3A_86 = arith.constant 0 : i32
    %dma_wait3A_87 = tpu.memref_slice %arg11[%dma_wait3A_85, %dma_wait3A_86] : memref<10000x144xf32, #tpu.memory_space<vmem_shared>> -> memref<10000x144xf32, #tpu.memory_space<vmem_shared>>
    tpu.wait_indirect_dma semaphore(%arg18 : memref<!tpu.dma_semaphore, #tpu.memory_space<semaphore_mem>>) src(%arg7 : memref<64x144xf32, #tpu.memory_space<vmem>>) dst(%dma_wait3A_87 : memref<10000x144xf32, #tpu.memory_space<vmem_shared>>)
    %dma_wait3A_88 = arith.constant 0 : i32
    %dma_wait3A_89 = arith.constant 0 : i32
    %dma_wait3A_90 = arith.constant 1 : i32
    %dma_wait3A_91 = arith.constant 0 : i32
    %dma_wait3A_92 = arith.constant 0 : i32
    %dma_wait3A_93 = tpu.memref_slice %arg10[%dma_wait3A_88, %dma_wait3A_89, %dma_wait3A_90, %dma_wait3A_91, %dma_wait3A_92] : memref<1x1x2x2x64xi32, #tpu.memory_space<vmem>> -> memref<1x1x1x1x64xi32, #tpu.memory_space<vmem>>
    %dma_wait3A_94 = tpu.memref_squeeze %dma_wait3A_93 : memref<1x1x1x1x64xi32, #tpu.memory_space<vmem>> -> memref<64xi32, #tpu.memory_space<vmem>>
    %dma_wait3A_95 = arith.constant 0 : i32
    %dma_wait3A_96 = arith.constant 0 : i32
    %dma_wait3A_97 = tpu.memref_slice %arg11[%dma_wait3A_95, %dma_wait3A_96] : memref<10000x144xf32, #tpu.memory_space<vmem_shared>> -> memref<10000x144xf32, #tpu.memory_space<vmem_shared>>
    tpu.wait_indirect_dma semaphore(%arg19 : memref<!tpu.dma_semaphore, #tpu.memory_space<semaphore_mem>>) src(%arg8 : memref<64x144xf32, #tpu.memory_space<vmem>>) dst(%dma_wait3A_97 : memref<10000x144xf32, #tpu.memory_space<vmem_shared>>)
    %barrier3A_98 = arith.constant 0 : index
    tpu.barrier barrier_id(%barrier3A_98)
    %mul3A_99 = arith.constant 10000 : i32
    %mul3A_100 = arith.muli %arg0, %mul3A_99 : i32
    %add3A_101 = arith.addi %mul3A_100, %mul3A_6 : i32
    %add3A_102 = arith.constant 0 : i32
    %add3A_103 = arith.addi %mul3A_6, %add3A_102 : i32
    %add3A_104 = arith.constant 0 : i32
    %add3A_105 = arith.addi %add3A_101, %add3A_104 : i32
    "tpu.region"() ({
      %run_scoped3A = tpu.sem_alloc : memref<!tpu.dma_semaphore, #tpu.memory_space<semaphore_mem>>
      %dma_start3A = arith.constant 0 : i32
      %dma_start3A_146 = tpu.memref_slice %arg4[%add3A_105, %dma_start3A] : memref<20000x144xf32, #tpu.memory_space<hbm>> -> memref<64x144xf32, #tpu.memory_space<hbm>>
      %dma_start3A_147 = arith.constant 0 : i32
      %dma_start3A_148 = tpu.memref_slice %arg11[%add3A_103, %dma_start3A_147] : memref<10000x144xf32, #tpu.memory_space<vmem_shared>> -> memref<64x144xf32, #tpu.memory_space<vmem_shared>>
      tpu.enqueue_dma source(%dma_start3A_148 : memref<64x144xf32, #tpu.memory_space<vmem_shared>>) target(%dma_start3A_146 : memref<64x144xf32, #tpu.memory_space<hbm>>) target_semaphore(%run_scoped3A : memref<!tpu.dma_semaphore, #tpu.memory_space<semaphore_mem>>)
      %dma_wait3A_149 = arith.constant 0 : i32
      %dma_wait3A_150 = tpu.memref_slice %arg4[%add3A_105, %dma_wait3A_149] : memref<20000x144xf32, #tpu.memory_space<hbm>> -> memref<64x144xf32, #tpu.memory_space<hbm>>
      %dma_wait3A_151 = arith.constant 0 : i32
      %dma_wait3A_152 = tpu.memref_slice %arg11[%add3A_103, %dma_wait3A_151] : memref<10000x144xf32, #tpu.memory_space<vmem_shared>> -> memref<64x144xf32, #tpu.memory_space<vmem_shared>>
      tpu.wait_dma2 semaphore(%run_scoped3A : memref<!tpu.dma_semaphore, #tpu.memory_space<semaphore_mem>>) src(%dma_wait3A_152 : memref<64x144xf32, #tpu.memory_space<vmem_shared>>) dst(%dma_wait3A_150 : memref<64x144xf32, #tpu.memory_space<hbm>>)
      tpu.yield
    }) : () -> ()
    %add3A_106 = arith.constant 64 : i32
    %add3A_107 = arith.addi %mul3A_6, %add3A_106 : i32
    %add3A_108 = arith.constant 64 : i32
    %add3A_109 = arith.addi %add3A_101, %add3A_108 : i32
    "tpu.region"() ({
      %run_scoped3A = tpu.sem_alloc : memref<!tpu.dma_semaphore, #tpu.memory_space<semaphore_mem>>
      %dma_start3A = arith.constant 0 : i32
      %dma_start3A_146 = tpu.memref_slice %arg4[%add3A_109, %dma_start3A] : memref<20000x144xf32, #tpu.memory_space<hbm>> -> memref<64x144xf32, #tpu.memory_space<hbm>>
      %dma_start3A_147 = arith.constant 0 : i32
      %dma_start3A_148 = tpu.memref_slice %arg11[%add3A_107, %dma_start3A_147] : memref<10000x144xf32, #tpu.memory_space<vmem_shared>> -> memref<64x144xf32, #tpu.memory_space<vmem_shared>>
      tpu.enqueue_dma source(%dma_start3A_148 : memref<64x144xf32, #tpu.memory_space<vmem_shared>>) target(%dma_start3A_146 : memref<64x144xf32, #tpu.memory_space<hbm>>) target_semaphore(%run_scoped3A : memref<!tpu.dma_semaphore, #tpu.memory_space<semaphore_mem>>)
      %dma_wait3A_149 = arith.constant 0 : i32
      %dma_wait3A_150 = tpu.memref_slice %arg4[%add3A_109, %dma_wait3A_149] : memref<20000x144xf32, #tpu.memory_space<hbm>> -> memref<64x144xf32, #tpu.memory_space<hbm>>
      %dma_wait3A_151 = arith.constant 0 : i32
      %dma_wait3A_152 = tpu.memref_slice %arg11[%add3A_107, %dma_wait3A_151] : memref<10000x144xf32, #tpu.memory_space<vmem_shared>> -> memref<64x144xf32, #tpu.memory_space<vmem_shared>>
      tpu.wait_dma2 semaphore(%run_scoped3A : memref<!tpu.dma_semaphore, #tpu.memory_space<semaphore_mem>>) src(%dma_wait3A_152 : memref<64x144xf32, #tpu.memory_space<vmem_shared>>) dst(%dma_wait3A_150 : memref<64x144xf32, #tpu.memory_space<hbm>>)
      tpu.yield
    }) : () -> ()
    %add3A_110 = arith.constant 128 : i32
    %add3A_111 = arith.addi %mul3A_6, %add3A_110 : i32
    %add3A_112 = arith.constant 128 : i32
    %add3A_113 = arith.addi %add3A_101, %add3A_112 : i32
    "tpu.region"() ({
      %run_scoped3A = tpu.sem_alloc : memref<!tpu.dma_semaphore, #tpu.memory_space<semaphore_mem>>
      %dma_start3A = arith.constant 0 : i32
      %dma_start3A_146 = tpu.memref_slice %arg4[%add3A_113, %dma_start3A] : memref<20000x144xf32, #tpu.memory_space<hbm>> -> memref<64x144xf32, #tpu.memory_space<hbm>>
      %dma_start3A_147 = arith.constant 0 : i32
      %dma_start3A_148 = tpu.memref_slice %arg11[%add3A_111, %dma_start3A_147] : memref<10000x144xf32, #tpu.memory_space<vmem_shared>> -> memref<64x144xf32, #tpu.memory_space<vmem_shared>>
      tpu.enqueue_dma source(%dma_start3A_148 : memref<64x144xf32, #tpu.memory_space<vmem_shared>>) target(%dma_start3A_146 : memref<64x144xf32, #tpu.memory_space<hbm>>) target_semaphore(%run_scoped3A : memref<!tpu.dma_semaphore, #tpu.memory_space<semaphore_mem>>)
      %dma_wait3A_149 = arith.constant 0 : i32
      %dma_wait3A_150 = tpu.memref_slice %arg4[%add3A_113, %dma_wait3A_149] : memref<20000x144xf32, #tpu.memory_space<hbm>> -> memref<64x144xf32, #tpu.memory_space<hbm>>
      %dma_wait3A_151 = arith.constant 0 : i32
      %dma_wait3A_152 = tpu.memref_slice %arg11[%add3A_111, %dma_wait3A_151] : memref<10000x144xf32, #tpu.memory_space<vmem_shared>> -> memref<64x144xf32, #tpu.memory_space<vmem_shared>>
      tpu.wait_dma2 semaphore(%run_scoped3A : memref<!tpu.dma_semaphore, #tpu.memory_space<semaphore_mem>>) src(%dma_wait3A_152 : memref<64x144xf32, #tpu.memory_space<vmem_shared>>) dst(%dma_wait3A_150 : memref<64x144xf32, #tpu.memory_space<hbm>>)
      tpu.yield
    }) : () -> ()
    %add3A_114 = arith.constant 192 : i32
    %add3A_115 = arith.addi %mul3A_6, %add3A_114 : i32
    %add3A_116 = arith.constant 192 : i32
    %add3A_117 = arith.addi %add3A_101, %add3A_116 : i32
    "tpu.region"() ({
      %run_scoped3A = tpu.sem_alloc : memref<!tpu.dma_semaphore, #tpu.memory_space<semaphore_mem>>
      %dma_start3A = arith.constant 0 : i32
      %dma_start3A_146 = tpu.memref_slice %arg4[%add3A_117, %dma_start3A] : memref<20000x144xf32, #tpu.memory_space<hbm>> -> memref<64x144xf32, #tpu.memory_space<hbm>>
      %dma_start3A_147 = arith.constant 0 : i32
      %dma_start3A_148 = tpu.memref_slice %arg11[%add3A_115, %dma_start3A_147] : memref<10000x144xf32, #tpu.memory_space<vmem_shared>> -> memref<64x144xf32, #tpu.memory_space<vmem_shared>>
      tpu.enqueue_dma source(%dma_start3A_148 : memref<64x144xf32, #tpu.memory_space<vmem_shared>>) target(%dma_start3A_146 : memref<64x144xf32, #tpu.memory_space<hbm>>) target_semaphore(%run_scoped3A : memref<!tpu.dma_semaphore, #tpu.memory_space<semaphore_mem>>)
      %dma_wait3A_149 = arith.constant 0 : i32
      %dma_wait3A_150 = tpu.memref_slice %arg4[%add3A_117, %dma_wait3A_149] : memref<20000x144xf32, #tpu.memory_space<hbm>> -> memref<64x144xf32, #tpu.memory_space<hbm>>
      %dma_wait3A_151 = arith.constant 0 : i32
      %dma_wait3A_152 = tpu.memref_slice %arg11[%add3A_115, %dma_wait3A_151] : memref<10000x144xf32, #tpu.memory_space<vmem_shared>> -> memref<64x144xf32, #tpu.memory_space<vmem_shared>>
      tpu.wait_dma2 semaphore(%run_scoped3A : memref<!tpu.dma_semaphore, #tpu.memory_space<semaphore_mem>>) src(%dma_wait3A_152 : memref<64x144xf32, #tpu.memory_space<vmem_shared>>) dst(%dma_wait3A_150 : memref<64x144xf32, #tpu.memory_space<hbm>>)
      tpu.yield
    }) : () -> ()
    %add3A_118 = arith.constant 256 : i32
    %add3A_119 = arith.addi %mul3A_6, %add3A_118 : i32
    %add3A_120 = arith.constant 256 : i32
    %add3A_121 = arith.addi %add3A_101, %add3A_120 : i32
    "tpu.region"() ({
      %run_scoped3A = tpu.sem_alloc : memref<!tpu.dma_semaphore, #tpu.memory_space<semaphore_mem>>
      %dma_start3A = arith.constant 0 : i32
      %dma_start3A_146 = tpu.memref_slice %arg4[%add3A_121, %dma_start3A] : memref<20000x144xf32, #tpu.memory_space<hbm>> -> memref<64x144xf32, #tpu.memory_space<hbm>>
      %dma_start3A_147 = arith.constant 0 : i32
      %dma_start3A_148 = tpu.memref_slice %arg11[%add3A_119, %dma_start3A_147] : memref<10000x144xf32, #tpu.memory_space<vmem_shared>> -> memref<64x144xf32, #tpu.memory_space<vmem_shared>>
      tpu.enqueue_dma source(%dma_start3A_148 : memref<64x144xf32, #tpu.memory_space<vmem_shared>>) target(%dma_start3A_146 : memref<64x144xf32, #tpu.memory_space<hbm>>) target_semaphore(%run_scoped3A : memref<!tpu.dma_semaphore, #tpu.memory_space<semaphore_mem>>)
      %dma_wait3A_149 = arith.constant 0 : i32
      %dma_wait3A_150 = tpu.memref_slice %arg4[%add3A_121, %dma_wait3A_149] : memref<20000x144xf32, #tpu.memory_space<hbm>> -> memref<64x144xf32, #tpu.memory_space<hbm>>
      %dma_wait3A_151 = arith.constant 0 : i32
      %dma_wait3A_152 = tpu.memref_slice %arg11[%add3A_119, %dma_wait3A_151] : memref<10000x144xf32, #tpu.memory_space<vmem_shared>> -> memref<64x144xf32, #tpu.memory_space<vmem_shared>>
      tpu.wait_dma2 semaphore(%run_scoped3A : memref<!tpu.dma_semaphore, #tpu.memory_space<semaphore_mem>>) src(%dma_wait3A_152 : memref<64x144xf32, #tpu.memory_space<vmem_shared>>) dst(%dma_wait3A_150 : memref<64x144xf32, #tpu.memory_space<hbm>>)
      tpu.yield
    }) : () -> ()
    %add3A_122 = arith.constant 320 : i32
    %add3A_123 = arith.addi %mul3A_6, %add3A_122 : i32
    %add3A_124 = arith.constant 320 : i32
    %add3A_125 = arith.addi %add3A_101, %add3A_124 : i32
    "tpu.region"() ({
      %run_scoped3A = tpu.sem_alloc : memref<!tpu.dma_semaphore, #tpu.memory_space<semaphore_mem>>
      %dma_start3A = arith.constant 0 : i32
      %dma_start3A_146 = tpu.memref_slice %arg4[%add3A_125, %dma_start3A] : memref<20000x144xf32, #tpu.memory_space<hbm>> -> memref<64x144xf32, #tpu.memory_space<hbm>>
      %dma_start3A_147 = arith.constant 0 : i32
      %dma_start3A_148 = tpu.memref_slice %arg11[%add3A_123, %dma_start3A_147] : memref<10000x144xf32, #tpu.memory_space<vmem_shared>> -> memref<64x144xf32, #tpu.memory_space<vmem_shared>>
      tpu.enqueue_dma source(%dma_start3A_148 : memref<64x144xf32, #tpu.memory_space<vmem_shared>>) target(%dma_start3A_146 : memref<64x144xf32, #tpu.memory_space<hbm>>) target_semaphore(%run_scoped3A : memref<!tpu.dma_semaphore, #tpu.memory_space<semaphore_mem>>)
      %dma_wait3A_149 = arith.constant 0 : i32
      %dma_wait3A_150 = tpu.memref_slice %arg4[%add3A_125, %dma_wait3A_149] : memref<20000x144xf32, #tpu.memory_space<hbm>> -> memref<64x144xf32, #tpu.memory_space<hbm>>
      %dma_wait3A_151 = arith.constant 0 : i32
      %dma_wait3A_152 = tpu.memref_slice %arg11[%add3A_123, %dma_wait3A_151] : memref<10000x144xf32, #tpu.memory_space<vmem_shared>> -> memref<64x144xf32, #tpu.memory_space<vmem_shared>>
      tpu.wait_dma2 semaphore(%run_scoped3A : memref<!tpu.dma_semaphore, #tpu.memory_space<semaphore_mem>>) src(%dma_wait3A_152 : memref<64x144xf32, #tpu.memory_space<vmem_shared>>) dst(%dma_wait3A_150 : memref<64x144xf32, #tpu.memory_space<hbm>>)
      tpu.yield
    }) : () -> ()
    %add3A_126 = arith.constant 384 : i32
    %add3A_127 = arith.addi %mul3A_6, %add3A_126 : i32
    %add3A_128 = arith.constant 384 : i32
    %add3A_129 = arith.addi %add3A_101, %add3A_128 : i32
    "tpu.region"() ({
      %run_scoped3A = tpu.sem_alloc : memref<!tpu.dma_semaphore, #tpu.memory_space<semaphore_mem>>
      %dma_start3A = arith.constant 0 : i32
      %dma_start3A_146 = tpu.memref_slice %arg4[%add3A_129, %dma_start3A] : memref<20000x144xf32, #tpu.memory_space<hbm>> -> memref<64x144xf32, #tpu.memory_space<hbm>>
      %dma_start3A_147 = arith.constant 0 : i32
      %dma_start3A_148 = tpu.memref_slice %arg11[%add3A_127, %dma_start3A_147] : memref<10000x144xf32, #tpu.memory_space<vmem_shared>> -> memref<64x144xf32, #tpu.memory_space<vmem_shared>>
      tpu.enqueue_dma source(%dma_start3A_148 : memref<64x144xf32, #tpu.memory_space<vmem_shared>>) target(%dma_start3A_146 : memref<64x144xf32, #tpu.memory_space<hbm>>) target_semaphore(%run_scoped3A : memref<!tpu.dma_semaphore, #tpu.memory_space<semaphore_mem>>)
      %dma_wait3A_149 = arith.constant 0 : i32
      %dma_wait3A_150 = tpu.memref_slice %arg4[%add3A_129, %dma_wait3A_149] : memref<20000x144xf32, #tpu.memory_space<hbm>> -> memref<64x144xf32, #tpu.memory_space<hbm>>
      %dma_wait3A_151 = arith.constant 0 : i32
      %dma_wait3A_152 = tpu.memref_slice %arg11[%add3A_127, %dma_wait3A_151] : memref<10000x144xf32, #tpu.memory_space<vmem_shared>> -> memref<64x144xf32, #tpu.memory_space<vmem_shared>>
      tpu.wait_dma2 semaphore(%run_scoped3A : memref<!tpu.dma_semaphore, #tpu.memory_space<semaphore_mem>>) src(%dma_wait3A_152 : memref<64x144xf32, #tpu.memory_space<vmem_shared>>) dst(%dma_wait3A_150 : memref<64x144xf32, #tpu.memory_space<hbm>>)
      tpu.yield
    }) : () -> ()
    %add3A_130 = arith.constant 448 : i32
    %add3A_131 = arith.addi %mul3A_6, %add3A_130 : i32
    %add3A_132 = arith.constant 448 : i32
    %add3A_133 = arith.addi %add3A_101, %add3A_132 : i32
    "tpu.region"() ({
      %run_scoped3A = tpu.sem_alloc : memref<!tpu.dma_semaphore, #tpu.memory_space<semaphore_mem>>
      %dma_start3A = arith.constant 0 : i32
      %dma_start3A_146 = tpu.memref_slice %arg4[%add3A_133, %dma_start3A] : memref<20000x144xf32, #tpu.memory_space<hbm>> -> memref<64x144xf32, #tpu.memory_space<hbm>>
      %dma_start3A_147 = arith.constant 0 : i32
      %dma_start3A_148 = tpu.memref_slice %arg11[%add3A_131, %dma_start3A_147] : memref<10000x144xf32, #tpu.memory_space<vmem_shared>> -> memref<64x144xf32, #tpu.memory_space<vmem_shared>>
      tpu.enqueue_dma source(%dma_start3A_148 : memref<64x144xf32, #tpu.memory_space<vmem_shared>>) target(%dma_start3A_146 : memref<64x144xf32, #tpu.memory_space<hbm>>) target_semaphore(%run_scoped3A : memref<!tpu.dma_semaphore, #tpu.memory_space<semaphore_mem>>)
      %dma_wait3A_149 = arith.constant 0 : i32
      %dma_wait3A_150 = tpu.memref_slice %arg4[%add3A_133, %dma_wait3A_149] : memref<20000x144xf32, #tpu.memory_space<hbm>> -> memref<64x144xf32, #tpu.memory_space<hbm>>
      %dma_wait3A_151 = arith.constant 0 : i32
      %dma_wait3A_152 = tpu.memref_slice %arg11[%add3A_131, %dma_wait3A_151] : memref<10000x144xf32, #tpu.memory_space<vmem_shared>> -> memref<64x144xf32, #tpu.memory_space<vmem_shared>>
      tpu.wait_dma2 semaphore(%run_scoped3A : memref<!tpu.dma_semaphore, #tpu.memory_space<semaphore_mem>>) src(%dma_wait3A_152 : memref<64x144xf32, #tpu.memory_space<vmem_shared>>) dst(%dma_wait3A_150 : memref<64x144xf32, #tpu.memory_space<hbm>>)
      tpu.yield
    }) : () -> ()
    %add3A_134 = arith.constant 512 : i32
    %add3A_135 = arith.addi %mul3A_6, %add3A_134 : i32
    %add3A_136 = arith.constant 512 : i32
    %add3A_137 = arith.addi %add3A_101, %add3A_136 : i32
    "tpu.region"() ({
      %run_scoped3A = tpu.sem_alloc : memref<!tpu.dma_semaphore, #tpu.memory_space<semaphore_mem>>
      %dma_start3A = arith.constant 0 : i32
      %dma_start3A_146 = tpu.memref_slice %arg4[%add3A_137, %dma_start3A] : memref<20000x144xf32, #tpu.memory_space<hbm>> -> memref<64x144xf32, #tpu.memory_space<hbm>>
      %dma_start3A_147 = arith.constant 0 : i32
      %dma_start3A_148 = tpu.memref_slice %arg11[%add3A_135, %dma_start3A_147] : memref<10000x144xf32, #tpu.memory_space<vmem_shared>> -> memref<64x144xf32, #tpu.memory_space<vmem_shared>>
      tpu.enqueue_dma source(%dma_start3A_148 : memref<64x144xf32, #tpu.memory_space<vmem_shared>>) target(%dma_start3A_146 : memref<64x144xf32, #tpu.memory_space<hbm>>) target_semaphore(%run_scoped3A : memref<!tpu.dma_semaphore, #tpu.memory_space<semaphore_mem>>)
      %dma_wait3A_149 = arith.constant 0 : i32
      %dma_wait3A_150 = tpu.memref_slice %arg4[%add3A_137, %dma_wait3A_149] : memref<20000x144xf32, #tpu.memory_space<hbm>> -> memref<64x144xf32, #tpu.memory_space<hbm>>
      %dma_wait3A_151 = arith.constant 0 : i32
      %dma_wait3A_152 = tpu.memref_slice %arg11[%add3A_135, %dma_wait3A_151] : memref<10000x144xf32, #tpu.memory_space<vmem_shared>> -> memref<64x144xf32, #tpu.memory_space<vmem_shared>>
      tpu.wait_dma2 semaphore(%run_scoped3A : memref<!tpu.dma_semaphore, #tpu.memory_space<semaphore_mem>>) src(%dma_wait3A_152 : memref<64x144xf32, #tpu.memory_space<vmem_shared>>) dst(%dma_wait3A_150 : memref<64x144xf32, #tpu.memory_space<hbm>>)
      tpu.yield
    }) : () -> ()
    %add3A_138 = arith.constant 625 : i32
    %add3A_139 = arith.addi %mul3A_6, %add3A_138 : i32
    %sub3A_140 = arith.constant 49 : i32
    %sub3A_141 = arith.subi %add3A_139, %sub3A_140 : i32
    %add3A_142 = arith.constant 625 : i32
    %add3A_143 = arith.addi %add3A_101, %add3A_142 : i32
    %sub3A_144 = arith.constant 49 : i32
    %sub3A_145 = arith.subi %add3A_143, %sub3A_144 : i32
    "tpu.region"() ({
      %run_scoped3A = tpu.sem_alloc : memref<!tpu.dma_semaphore, #tpu.memory_space<semaphore_mem>>
      %dma_start3A = arith.constant 0 : i32
      %dma_start3A_146 = tpu.memref_slice %arg4[%sub3A_145, %dma_start3A] : memref<20000x144xf32, #tpu.memory_space<hbm>> -> memref<49x144xf32, #tpu.memory_space<hbm>>
      %dma_start3A_147 = arith.constant 0 : i32
      %dma_start3A_148 = tpu.memref_slice %arg11[%sub3A_141, %dma_start3A_147] : memref<10000x144xf32, #tpu.memory_space<vmem_shared>> -> memref<49x144xf32, #tpu.memory_space<vmem_shared>>
      tpu.enqueue_dma source(%dma_start3A_148 : memref<49x144xf32, #tpu.memory_space<vmem_shared>>) target(%dma_start3A_146 : memref<49x144xf32, #tpu.memory_space<hbm>>) target_semaphore(%run_scoped3A : memref<!tpu.dma_semaphore, #tpu.memory_space<semaphore_mem>>)
      %dma_wait3A_149 = arith.constant 0 : i32
      %dma_wait3A_150 = tpu.memref_slice %arg4[%sub3A_145, %dma_wait3A_149] : memref<20000x144xf32, #tpu.memory_space<hbm>> -> memref<49x144xf32, #tpu.memory_space<hbm>>
      %dma_wait3A_151 = arith.constant 0 : i32
      %dma_wait3A_152 = tpu.memref_slice %arg11[%sub3A_141, %dma_wait3A_151] : memref<10000x144xf32, #tpu.memory_space<vmem_shared>> -> memref<49x144xf32, #tpu.memory_space<vmem_shared>>
      tpu.wait_dma2 semaphore(%run_scoped3A : memref<!tpu.dma_semaphore, #tpu.memory_space<semaphore_mem>>) src(%dma_wait3A_152 : memref<49x144xf32, #tpu.memory_space<vmem_shared>>) dst(%dma_wait3A_150 : memref<49x144xf32, #tpu.memory_space<hbm>>)
      tpu.yield
    }) : () -> ()
    return
  }
}

module attributes {stable_mosaic.version = 14 : i64} {
  func.func @_prep_body(%arg0: i32, %arg1: memref<1000x128xf32, #tpu.memory_space<vmem>>, %arg2: memref<128x128xf32, #tpu.memory_space<vmem>>, %arg3: memref<128xf32, #tpu.memory_space<vmem>>, %arg4: memref<128x128xf32, #tpu.memory_space<vmem>>, %arg5: memref<128xf32, #tpu.memory_space<vmem>>, %arg6: memref<2x32x128xf32, #tpu.memory_space<vmem>>, %arg7: memref<2x32xf32, #tpu.memory_space<vmem>>, %arg8: memref<2x1x64xf32, #tpu.memory_space<vmem>>, %arg9: memref<1x2xf32, #tpu.memory_space<smem>>, %arg10: memref<1000x128xf32, #tpu.memory_space<vmem>>, %arg11: memref<2x1000x144xf32, #tpu.memory_space<vmem>>) attributes {dimension_semantics = [#tpu.dimension_semantics<arbitrary>], iteration_bounds = array<i64: 10>, scalar_prefetch = 0 : i64, scratch_operands = 0 : i64, tpu.core_type = #tpu.core_type<tc>, window_params = [{transform_indices = @transform_0, window_bounds = array<i64: 1000, 128>}, {pipeline_mode = #tpu.pipeline_mode<synchronous>, transform_indices = @transform_1, window_bounds = array<i64: 128, 128>}, {pipeline_mode = #tpu.pipeline_mode<synchronous>, transform_indices = @transform_2, window_bounds = array<i64: 128>}, {pipeline_mode = #tpu.pipeline_mode<synchronous>, transform_indices = @transform_3, window_bounds = array<i64: 128, 128>}, {pipeline_mode = #tpu.pipeline_mode<synchronous>, transform_indices = @transform_4, window_bounds = array<i64: 128>}, {pipeline_mode = #tpu.pipeline_mode<synchronous>, transform_indices = @transform_5, window_bounds = array<i64: 2, 32, 128>}, {pipeline_mode = #tpu.pipeline_mode<synchronous>, transform_indices = @transform_6, window_bounds = array<i64: 2, 32>}, {pipeline_mode = #tpu.pipeline_mode<synchronous>, transform_indices = @transform_7, window_bounds = array<i64: 2, 1, 64>}, {transform_indices = @transform_8, window_bounds = array<i64: 1, 2>}, {transform_indices = @transform_9, window_bounds = array<i64: 1000, 128>}, {transform_indices = @transform_10, window_bounds = array<i64: 2, 1000, 144>}]} {
    %get3A = arith.constant 0 : index
    %get3A_0 = arith.constant 0 : index
    %get3A_1 = vector.load %arg1[%get3A, %get3A_0] : memref<1000x128xf32, #tpu.memory_space<vmem>>, vector<1000x128xf32>
    %get3A_2 = arith.constant 0 : index
    %get3A_3 = arith.constant 0 : index
    %get3A_4 = vector.load %arg2[%get3A_2, %get3A_3] : memref<128x128xf32, #tpu.memory_space<vmem>>, vector<128x128xf32>
    %transpose3A = tpu.transpose %get3A_4, [1, 0] : vector<128x128xf32> -> vector<128x128xf32>
    %dot_general3A = arith.constant dense<0.000000e+00> : vector<1000x128xf32>
    %dot_general3A_5 = tpu.matmul %get3A_1, %transpose3A, %dot_general3A {dimension_numbers = #tpu.dot_dimension_numbers<[1], [0], [0], [1], [0, 0, 1, 1], [], []>, transpose_lhs_hint = false} : vector<1000x128xf32>, vector<128x128xf32>, vector<1000x128xf32> -> vector<1000x128xf32>
    %get3A_6 = arith.constant 0 : index
    %get3A_7 = vector.load %arg3[%get3A_6] : memref<128xf32, #tpu.memory_space<vmem>>, vector<128xf32>
    %broadcast_in_dim3A = vector.shape_cast %get3A_7 : vector<128xf32> to vector<1x128xf32>
    %add3A = vector.broadcast %broadcast_in_dim3A : vector<1x128xf32> to vector<1000x128xf32>
    %add3A_8 = arith.addf %dot_general3A_5, %add3A : vector<1000x128xf32>
    %get3A_9 = arith.constant 0 : index
    %get3A_10 = arith.constant 0 : index
    %get3A_11 = vector.load %arg4[%get3A_9, %get3A_10] : memref<128x128xf32, #tpu.memory_space<vmem>>, vector<128x128xf32>
    %transpose3A_12 = tpu.transpose %get3A_11, [1, 0] : vector<128x128xf32> -> vector<128x128xf32>
    %dot_general3A_13 = arith.constant dense<0.000000e+00> : vector<1000x128xf32>
    %dot_general3A_14 = tpu.matmul %get3A_1, %transpose3A_12, %dot_general3A_13 {dimension_numbers = #tpu.dot_dimension_numbers<[1], [0], [0], [1], [0, 0, 1, 1], [], []>, transpose_lhs_hint = false} : vector<1000x128xf32>, vector<128x128xf32>, vector<1000x128xf32> -> vector<1000x128xf32>
    %get3A_15 = arith.constant 0 : index
    %get3A_16 = vector.load %arg5[%get3A_15] : memref<128xf32, #tpu.memory_space<vmem>>, vector<128xf32>
    %broadcast_in_dim3A_17 = vector.shape_cast %get3A_16 : vector<128xf32> to vector<1x128xf32>
    %add3A_18 = vector.broadcast %broadcast_in_dim3A_17 : vector<1x128xf32> to vector<1000x128xf32>
    %add3A_19 = arith.addf %dot_general3A_14, %add3A_18 : vector<1000x128xf32>
    %swap3A = arith.constant 0 : index
    %swap3A_20 = arith.constant 0 : index
    %swap3A_21 = vector.load %arg10[%swap3A, %swap3A_20] : memref<1000x128xf32, #tpu.memory_space<vmem>>, vector<1000x128xf32>
    tpu.vector_store %arg10[%swap3A, %swap3A_20], %add3A_8 {strides = array<i32>} : memref<1000x128xf32, #tpu.memory_space<vmem>>, vector<1000x128xf32>,
    %broadcast_in_dim3A_22 = arith.constant 0.000000e+00 : f32
    %broadcast_in_dim3A_23 = vector.broadcast %broadcast_in_dim3A_22 : f32 to vector<1000x15xf32>
    %get3A_24 = arith.constant 0 : index
    %get3A_25 = arith.constant 0 : index
    %get3A_26 = memref.load %arg9[%get3A_24, %get3A_25] : memref<1x2xf32, #tpu.memory_space<smem>>
    %get3A_27 = arith.constant 0 : index
    %get3A_28 = arith.constant 0 : index
    %get3A_29 = arith.constant 0 : index
    %get3A_30 = vector.load %arg6[%get3A_27, %get3A_28, %get3A_29] : memref<2x32x128xf32, #tpu.memory_space<vmem>>, vector<1x32x128xf32>
    %get3A_31 = vector.shape_cast %get3A_30 : vector<1x32x128xf32> to vector<32x128xf32>
    %transpose3A_32 = tpu.transpose %get3A_31, [1, 0] : vector<32x128xf32> -> vector<128x32xf32>
    %dot_general3A_33 = arith.constant dense<0.000000e+00> : vector<1000x32xf32>
    %dot_general3A_34 = tpu.matmul %add3A_19, %transpose3A_32, %dot_general3A_33 {dimension_numbers = #tpu.dot_dimension_numbers<[1], [0], [0], [1], [0, 0, 1, 1], [], []>, transpose_lhs_hint = false} : vector<1000x128xf32>, vector<128x32xf32>, vector<1000x32xf32> -> vector<1000x32xf32>
    %get3A_35 = arith.constant 0 : index
    %get3A_36 = arith.constant 0 : index
    %get3A_37 = vector.load %arg7[%get3A_35, %get3A_36] : memref<2x32xf32, #tpu.memory_space<vmem>>, vector<1x32xf32>
    %get3A_38 = vector.shape_cast %get3A_37 : vector<1x32xf32> to vector<32xf32>
    %broadcast_in_dim3A_39 = vector.shape_cast %get3A_38 : vector<32xf32> to vector<1x32xf32>
    %add3A_40 = vector.broadcast %broadcast_in_dim3A_39 : vector<1x32xf32> to vector<1000x32xf32>
    %add3A_41 = arith.addf %dot_general3A_34, %add3A_40 : vector<1000x32xf32>
    %get3A_42 = arith.constant 0 : index
    %get3A_43 = arith.constant 0 : index
    %get3A_44 = arith.constant 0 : index
    %get3A_45 = vector.load %arg8[%get3A_42, %get3A_43, %get3A_44] : memref<2x1x64xf32, #tpu.memory_space<vmem>>, vector<1x1x64xf32>
    %get3A_46 = vector.shape_cast %get3A_45 : vector<1x1x64xf32> to vector<64xf32>
    %tanh3A = math.tanh %add3A_41 : vector<1000x32xf32>
    %slice3A = vector.extract_strided_slice %get3A_46 {offsets = [32], sizes = [32], strides = [1]} : vector<64xf32> to vector<32xf32>
    %broadcast_in_dim3A_47 = vector.shape_cast %slice3A : vector<32xf32> to vector<1x32xf32>
    %mul3A = vector.broadcast %broadcast_in_dim3A_47 : vector<1x32xf32> to vector<1000x32xf32>
    %mul3A_48 = arith.mulf %tanh3A, %mul3A : vector<1000x32xf32>
    %reduce_sum3A = arith.constant dense<0.000000e+00> : vector<1000xf32>
    %reduce_sum3A_49 = vector.multi_reduction <add>, %mul3A_48, %reduce_sum3A [1] : vector<1000x32xf32> to vector<1000xf32>
    %mul3A_50 = vector.broadcast %get3A_26 : f32 to vector<1000xf32>
    %mul3A_51 = arith.mulf %reduce_sum3A_49, %mul3A_50 : vector<1000xf32>
    %exp3A = math.exp %mul3A_51 : vector<1000xf32>
    %broadcast_in_dim3A_52 = vector.shape_cast %exp3A : vector<1000xf32> to vector<1000x1xf32>
    %mul3A_53 = vector.broadcast %broadcast_in_dim3A_52 : vector<1000x1xf32> to vector<1000x128xf32>
    %mul3A_54 = arith.mulf %add3A_19, %mul3A_53 : vector<1000x128xf32>
    %broadcast_in_dim3A_55 = vector.shape_cast %exp3A : vector<1000xf32> to vector<1000x1xf32>
    %concatenate3A = tpu.concatenate %mul3A_54, %broadcast_in_dim3A_55, %broadcast_in_dim3A_23 in 1 : vector<1000x128xf32>, vector<1000x1xf32>, vector<1000x15xf32> -> vector<1000x144xf32>
    %swap3A_56 = arith.constant 0 : index
    %swap3A_57 = arith.constant 0 : index
    %swap3A_58 = arith.constant 0 : index
    %swap3A_59 = vector.load %arg11[%swap3A_56, %swap3A_57, %swap3A_58] : memref<2x1000x144xf32, #tpu.memory_space<vmem>>, vector<1x1000x144xf32>
    %swap3A_60 = vector.shape_cast %swap3A_59 : vector<1x1000x144xf32> to vector<1000x144xf32>
    %swap3A_61 = vector.shape_cast %concatenate3A : vector<1000x144xf32> to vector<1x1000x144xf32>
    tpu.vector_store %arg11[%swap3A_56, %swap3A_57, %swap3A_58], %swap3A_61 {strides = array<i32>} : memref<2x1000x144xf32, #tpu.memory_space<vmem>>, vector<1x1000x144xf32>,
    %get3A_62 = arith.constant 0 : index
    %get3A_63 = arith.constant 1 : index
    %get3A_64 = memref.load %arg9[%get3A_62, %get3A_63] : memref<1x2xf32, #tpu.memory_space<smem>>
    %get3A_65 = arith.constant 1 : index
    %get3A_66 = arith.constant 0 : index
    %get3A_67 = arith.constant 0 : index
    %get3A_68 = vector.load %arg6[%get3A_65, %get3A_66, %get3A_67] : memref<2x32x128xf32, #tpu.memory_space<vmem>>, vector<1x32x128xf32>
    %get3A_69 = vector.shape_cast %get3A_68 : vector<1x32x128xf32> to vector<32x128xf32>
    %transpose3A_70 = tpu.transpose %get3A_69, [1, 0] : vector<32x128xf32> -> vector<128x32xf32>
    %dot_general3A_71 = arith.constant dense<0.000000e+00> : vector<1000x32xf32>
    %dot_general3A_72 = tpu.matmul %add3A_19, %transpose3A_70, %dot_general3A_71 {dimension_numbers = #tpu.dot_dimension_numbers<[1], [0], [0], [1], [0, 0, 1, 1], [], []>, transpose_lhs_hint = false} : vector<1000x128xf32>, vector<128x32xf32>, vector<1000x32xf32> -> vector<1000x32xf32>
    %get3A_73 = arith.constant 1 : index
    %get3A_74 = arith.constant 0 : index
    %get3A_75 = vector.load %arg7[%get3A_73, %get3A_74] : memref<2x32xf32, #tpu.memory_space<vmem>>, vector<1x32xf32>
    %get3A_76 = vector.shape_cast %get3A_75 : vector<1x32xf32> to vector<32xf32>
    %broadcast_in_dim3A_77 = vector.shape_cast %get3A_76 : vector<32xf32> to vector<1x32xf32>
    %add3A_78 = vector.broadcast %broadcast_in_dim3A_77 : vector<1x32xf32> to vector<1000x32xf32>
    %add3A_79 = arith.addf %dot_general3A_72, %add3A_78 : vector<1000x32xf32>
    %get3A_80 = arith.constant 1 : index
    %get3A_81 = arith.constant 0 : index
    %get3A_82 = arith.constant 0 : index
    %get3A_83 = vector.load %arg8[%get3A_80, %get3A_81, %get3A_82] : memref<2x1x64xf32, #tpu.memory_space<vmem>>, vector<1x1x64xf32>
    %get3A_84 = vector.shape_cast %get3A_83 : vector<1x1x64xf32> to vector<64xf32>
    %tanh3A_85 = math.tanh %add3A_79 : vector<1000x32xf32>
    %slice3A_86 = vector.extract_strided_slice %get3A_84 {offsets = [32], sizes = [32], strides = [1]} : vector<64xf32> to vector<32xf32>
    %broadcast_in_dim3A_87 = vector.shape_cast %slice3A_86 : vector<32xf32> to vector<1x32xf32>
    %mul3A_88 = vector.broadcast %broadcast_in_dim3A_87 : vector<1x32xf32> to vector<1000x32xf32>
    %mul3A_89 = arith.mulf %tanh3A_85, %mul3A_88 : vector<1000x32xf32>
    %reduce_sum3A_90 = arith.constant dense<0.000000e+00> : vector<1000xf32>
    %reduce_sum3A_91 = vector.multi_reduction <add>, %mul3A_89, %reduce_sum3A_90 [1] : vector<1000x32xf32> to vector<1000xf32>
    %mul3A_92 = vector.broadcast %get3A_64 : f32 to vector<1000xf32>
    %mul3A_93 = arith.mulf %reduce_sum3A_91, %mul3A_92 : vector<1000xf32>
    %exp3A_94 = math.exp %mul3A_93 : vector<1000xf32>
    %broadcast_in_dim3A_95 = vector.shape_cast %exp3A_94 : vector<1000xf32> to vector<1000x1xf32>
    %mul3A_96 = vector.broadcast %broadcast_in_dim3A_95 : vector<1000x1xf32> to vector<1000x128xf32>
    %mul3A_97 = arith.mulf %add3A_19, %mul3A_96 : vector<1000x128xf32>
    %broadcast_in_dim3A_98 = vector.shape_cast %exp3A_94 : vector<1000xf32> to vector<1000x1xf32>
    %concatenate3A_99 = tpu.concatenate %mul3A_97, %broadcast_in_dim3A_98, %broadcast_in_dim3A_23 in 1 : vector<1000x128xf32>, vector<1000x1xf32>, vector<1000x15xf32> -> vector<1000x144xf32>
    %swap3A_100 = arith.constant 1 : index
    %swap3A_101 = arith.constant 0 : index
    %swap3A_102 = arith.constant 0 : index
    %swap3A_103 = vector.load %arg11[%swap3A_100, %swap3A_101, %swap3A_102] : memref<2x1000x144xf32, #tpu.memory_space<vmem>>, vector<1x1000x144xf32>
    %swap3A_104 = vector.shape_cast %swap3A_103 : vector<1x1000x144xf32> to vector<1000x144xf32>
    %swap3A_105 = vector.shape_cast %concatenate3A_99 : vector<1000x144xf32> to vector<1x1000x144xf32>
    tpu.vector_store %arg11[%swap3A_100, %swap3A_101, %swap3A_102], %swap3A_105 {strides = array<i32>} : memref<2x1000x144xf32, #tpu.memory_space<vmem>>, vector<1x1000x144xf32>,
    return
  }
  func.func @transform_0(%arg0: i32) -> (i32, i32) {
    %c0_i32 = arith.constant 0 : i32
    %c0_i32_0 = arith.constant 0 : i32
    return %arg0, %c0_i32 : i32, i32
  }
  func.func @transform_1(%arg0: i32) -> (i32, i32) {
    %c0_i32 = arith.constant 0 : i32
    %c0_i32_0 = arith.constant 0 : i32
    %c0_i32_1 = arith.constant 0 : i32
    return %c0_i32, %c0_i32_0 : i32, i32
  }
  func.func @transform_2(%arg0: i32) -> i32 {
    %c0_i32 = arith.constant 0 : i32
    %c0_i32_0 = arith.constant 0 : i32
    return %c0_i32 : i32
  }
  func.func @transform_3(%arg0: i32) -> (i32, i32) {
    %c0_i32 = arith.constant 0 : i32
    %c0_i32_0 = arith.constant 0 : i32
    %c0_i32_1 = arith.constant 0 : i32
    return %c0_i32, %c0_i32_0 : i32, i32
  }
  func.func @transform_4(%arg0: i32) -> i32 {
    %c0_i32 = arith.constant 0 : i32
    %c0_i32_0 = arith.constant 0 : i32
    return %c0_i32 : i32
  }
  func.func @transform_5(%arg0: i32) -> (i32, i32, i32) {
    %c0_i32 = arith.constant 0 : i32
    %c0_i32_0 = arith.constant 0 : i32
    %c0_i32_1 = arith.constant 0 : i32
    %c0_i32_2 = arith.constant 0 : i32
    return %c0_i32, %c0_i32_0, %c0_i32_1 : i32, i32, i32
  }
  func.func @transform_6(%arg0: i32) -> (i32, i32) {
    %c0_i32 = arith.constant 0 : i32
    %c0_i32_0 = arith.constant 0 : i32
    %c0_i32_1 = arith.constant 0 : i32
    return %c0_i32, %c0_i32_0 : i32, i32
  }
  func.func @transform_7(%arg0: i32) -> (i32, i32, i32) {
    %c0_i32 = arith.constant 0 : i32
    %c0_i32_0 = arith.constant 0 : i32
    %c0_i32_1 = arith.constant 0 : i32
    %c0_i32_2 = arith.constant 0 : i32
    return %c0_i32, %c0_i32_0, %c0_i32_1 : i32, i32, i32
  }
  func.func @transform_8(%arg0: i32) -> (i32, i32) {
    %c0_i32 = arith.constant 0 : i32
    %c0_i32_0 = arith.constant 0 : i32
    %c0_i32_1 = arith.constant 0 : i32
    return %c0_i32, %c0_i32_0 : i32, i32
  }
  func.func @transform_9(%arg0: i32) -> (i32, i32) {
    %c0_i32 = arith.constant 0 : i32
    %c0_i32_0 = arith.constant 0 : i32
    return %arg0, %c0_i32 : i32, i32
  }
  func.func @transform_10(%arg0: i32) -> (i32, i32, i32) {
    %c0_i32 = arith.constant 0 : i32
    %c0_i32_0 = arith.constant 0 : i32
    %c0_i32_1 = arith.constant 0 : i32
    return %c0_i32, %arg0, %c0_i32_0 : i32, i32, i32
  }
}

module attributes {stable_mosaic.version = 14 : i64} {
  func.func @_combine_body(%arg0: i32, %arg1: memref<2x1000x144xf32, #tpu.memory_space<vmem>>, %arg2: memref<1000x128xf32, #tpu.memory_space<vmem>>, %arg3: memref<1x128xf32, #tpu.memory_space<vmem>>, %arg4: memref<1000x128xf32, #tpu.memory_space<vmem>>) attributes {dimension_semantics = [#tpu.dimension_semantics<arbitrary>], iteration_bounds = array<i64: 10>, scalar_prefetch = 0 : i64, scratch_operands = 0 : i64, tpu.core_type = #tpu.core_type<tc>, window_params = [{transform_indices = @transform_0, window_bounds = array<i64: 2, 1000, 144>}, {transform_indices = @transform_1, window_bounds = array<i64: 1000, 128>}, {pipeline_mode = #tpu.pipeline_mode<synchronous>, transform_indices = @transform_2, window_bounds = array<i64: 1, 128>}, {transform_indices = @transform_3, window_bounds = array<i64: 1000, 128>}]} {
    %get3A = arith.constant 0 : index
    %get3A_0 = arith.constant 0 : index
    %get3A_1 = arith.constant 0 : index
    %get3A_2 = vector.load %arg1[%get3A, %get3A_0, %get3A_1] : memref<2x1000x144xf32, #tpu.memory_space<vmem>>, vector<2x1000x144xf32>
    %get3A_3 = arith.constant 0 : index
    %get3A_4 = arith.constant 0 : index
    %get3A_5 = vector.load %arg2[%get3A_3, %get3A_4] : memref<1000x128xf32, #tpu.memory_space<vmem>>, vector<1000x128xf32>
    %get3A_6 = arith.constant 0 : index
    %get3A_7 = arith.constant 0 : index
    %get3A_8 = vector.load %arg3[%get3A_6, %get3A_7] : memref<1x128xf32, #tpu.memory_space<vmem>>, vector<1x128xf32>
    %squeeze3A = vector.shape_cast %get3A_8 : vector<1x128xf32> to vector<128xf32>
    %slice3A = vector.extract_strided_slice %get3A_2 {offsets = [0, 0, 0], sizes = [1, 1000, 128], strides = [1, 1, 1]} : vector<2x1000x144xf32> to vector<1x1000x128xf32>
    %squeeze3A_9 = vector.shape_cast %slice3A : vector<1x1000x128xf32> to vector<1000x128xf32>
    %slice3A_10 = vector.extract_strided_slice %get3A_2 {offsets = [0, 0, 128], sizes = [1, 1000, 1], strides = [1, 1, 1]} : vector<2x1000x144xf32> to vector<1x1000x1xf32>
    %squeeze3A_11 = vector.shape_cast %slice3A_10 : vector<1x1000x1xf32> to vector<1000x1xf32>
    %add3A = arith.constant 1.000000e-16 : f32
    %add3A_12 = vector.broadcast %add3A : f32 to vector<1000x1xf32>
    %add3A_13 = arith.addf %squeeze3A_11, %add3A_12 : vector<1000x1xf32>
    %div3A = vector.broadcast %add3A_13 : vector<1000x1xf32> to vector<1000x128xf32>
    %div3A_14 = arith.divf %squeeze3A_9, %div3A : vector<1000x128xf32>
    %slice3A_15 = vector.extract_strided_slice %get3A_2 {offsets = [1, 0, 0], sizes = [1, 1000, 128], strides = [1, 1, 1]} : vector<2x1000x144xf32> to vector<1x1000x128xf32>
    %squeeze3A_16 = vector.shape_cast %slice3A_15 : vector<1x1000x128xf32> to vector<1000x128xf32>
    %slice3A_17 = vector.extract_strided_slice %get3A_2 {offsets = [1, 0, 128], sizes = [1, 1000, 1], strides = [1, 1, 1]} : vector<2x1000x144xf32> to vector<1x1000x1xf32>
    %squeeze3A_18 = vector.shape_cast %slice3A_17 : vector<1x1000x1xf32> to vector<1000x1xf32>
    %add3A_19 = arith.constant 1.000000e-16 : f32
    %add3A_20 = vector.broadcast %add3A_19 : f32 to vector<1000x1xf32>
    %add3A_21 = arith.addf %squeeze3A_18, %add3A_20 : vector<1000x1xf32>
    %div3A_22 = vector.broadcast %add3A_21 : vector<1000x1xf32> to vector<1000x128xf32>
    %div3A_23 = arith.divf %squeeze3A_16, %div3A_22 : vector<1000x128xf32>
    %broadcast_in_dim3A = vector.shape_cast %squeeze3A : vector<128xf32> to vector<1x128xf32>
    %mul3A = vector.broadcast %broadcast_in_dim3A : vector<1x128xf32> to vector<1000x128xf32>
    %mul3A_24 = arith.mulf %div3A_14, %mul3A : vector<1000x128xf32>
    %reduce_sum3A = arith.constant dense<0.000000e+00> : vector<1000xf32>
    %reduce_sum3A_25 = vector.multi_reduction <add>, %mul3A_24, %reduce_sum3A [1] : vector<1000x128xf32> to vector<1000xf32>
    %broadcast_in_dim3A_26 = vector.shape_cast %squeeze3A : vector<128xf32> to vector<1x128xf32>
    %mul3A_27 = vector.broadcast %broadcast_in_dim3A_26 : vector<1x128xf32> to vector<1000x128xf32>
    %mul3A_28 = arith.mulf %div3A_23, %mul3A_27 : vector<1000x128xf32>
    %reduce_sum3A_29 = arith.constant dense<0.000000e+00> : vector<1000xf32>
    %reduce_sum3A_30 = vector.multi_reduction <add>, %mul3A_28, %reduce_sum3A_29 [1] : vector<1000x128xf32> to vector<1000xf32>
    %broadcast_in_dim3A_31 = vector.shape_cast %squeeze3A : vector<128xf32> to vector<1x128xf32>
    %mul3A_32 = vector.broadcast %broadcast_in_dim3A_31 : vector<1x128xf32> to vector<1000x128xf32>
    %mul3A_33 = arith.mulf %get3A_5, %mul3A_32 : vector<1000x128xf32>
    %reduce_sum3A_34 = arith.constant dense<0.000000e+00> : vector<1000xf32>
    %reduce_sum3A_35 = vector.multi_reduction <add>, %mul3A_33, %reduce_sum3A_34 [1] : vector<1000x128xf32> to vector<1000xf32>
    %max3A = arith.maximumf %reduce_sum3A_25, %reduce_sum3A_30 : vector<1000xf32>
    %max3A_36 = arith.maximumf %max3A, %reduce_sum3A_35 : vector<1000xf32>
    %sub3A = arith.subf %reduce_sum3A_25, %max3A_36 : vector<1000xf32>
    %exp3A = math.exp %sub3A : vector<1000xf32>
    %sub3A_37 = arith.subf %reduce_sum3A_30, %max3A_36 : vector<1000xf32>
    %exp3A_38 = math.exp %sub3A_37 : vector<1000xf32>
    %sub3A_39 = arith.subf %reduce_sum3A_35, %max3A_36 : vector<1000xf32>
    %exp3A_40 = math.exp %sub3A_39 : vector<1000xf32>
    %add3A_41 = arith.addf %exp3A, %exp3A_38 : vector<1000xf32>
    %add3A_42 = arith.addf %add3A_41, %exp3A_40 : vector<1000xf32>
    %broadcast_in_dim3A_43 = vector.shape_cast %exp3A : vector<1000xf32> to vector<1000x1xf32>
    %mul3A_44 = vector.broadcast %broadcast_in_dim3A_43 : vector<1000x1xf32> to vector<1000x128xf32>
    %mul3A_45 = arith.mulf %mul3A_44, %div3A_14 : vector<1000x128xf32>
    %broadcast_in_dim3A_46 = vector.shape_cast %exp3A_38 : vector<1000xf32> to vector<1000x1xf32>
    %mul3A_47 = vector.broadcast %broadcast_in_dim3A_46 : vector<1000x1xf32> to vector<1000x128xf32>
    %mul3A_48 = arith.mulf %mul3A_47, %div3A_23 : vector<1000x128xf32>
    %add3A_49 = arith.addf %mul3A_45, %mul3A_48 : vector<1000x128xf32>
    %broadcast_in_dim3A_50 = vector.shape_cast %exp3A_40 : vector<1000xf32> to vector<1000x1xf32>
    %mul3A_51 = vector.broadcast %broadcast_in_dim3A_50 : vector<1000x1xf32> to vector<1000x128xf32>
    %mul3A_52 = arith.mulf %mul3A_51, %get3A_5 : vector<1000x128xf32>
    %add3A_53 = arith.addf %add3A_49, %mul3A_52 : vector<1000x128xf32>
    %broadcast_in_dim3A_54 = vector.shape_cast %add3A_42 : vector<1000xf32> to vector<1000x1xf32>
    %div3A_55 = vector.broadcast %broadcast_in_dim3A_54 : vector<1000x1xf32> to vector<1000x128xf32>
    %div3A_56 = arith.divf %add3A_53, %div3A_55 : vector<1000x128xf32>
    %max3A_57 = arith.constant 0.000000e+00 : f32
    %max3A_58 = vector.broadcast %max3A_57 : f32 to vector<1000x128xf32>
    %max3A_59 = arith.maximumf %div3A_56, %max3A_58 : vector<1000x128xf32>
    %swap3A = arith.constant 0 : index
    %swap3A_60 = arith.constant 0 : index
    %swap3A_61 = vector.load %arg4[%swap3A, %swap3A_60] : memref<1000x128xf32, #tpu.memory_space<vmem>>, vector<1000x128xf32>
    tpu.vector_store %arg4[%swap3A, %swap3A_60], %max3A_59 {strides = array<i32>} : memref<1000x128xf32, #tpu.memory_space<vmem>>, vector<1000x128xf32>,
    return
  }
  func.func @transform_0(%arg0: i32) -> (i32, i32, i32) {
    %c0_i32 = arith.constant 0 : i32
    %c0_i32_0 = arith.constant 0 : i32
    %c0_i32_1 = arith.constant 0 : i32
    return %c0_i32, %arg0, %c0_i32_0 : i32, i32, i32
  }
  func.func @transform_1(%arg0: i32) -> (i32, i32) {
    %c0_i32 = arith.constant 0 : i32
    %c0_i32_0 = arith.constant 0 : i32
    return %arg0, %c0_i32 : i32, i32
  }
  func.func @transform_2(%arg0: i32) -> (i32, i32) {
    %c0_i32 = arith.constant 0 : i32
    %c0_i32_0 = arith.constant 0 : i32
    %c0_i32_1 = arith.constant 0 : i32
    return %c0_i32, %c0_i32_0 : i32, i32
  }
  func.func @transform_3(%arg0: i32) -> (i32, i32) {
    %c0_i32 = arith.constant 0 : i32
    %c0_i32_0 = arith.constant 0 : i32
    return %arg0, %c0_i32 : i32, i32
  }
}

</mosaic_0001>

<sc_bundles>
// kernel: kernel.5.cloned.1.call-start
scs
__scs_entry_jumppad:
0x0: {  	(pc) =	sbr.rel $0x88, $3  }
0x1: {  	(tag) =	ssettag $0x0;
	lr =	simm.s32 $0x1  }
0x2: {  	[smem:$0x3F95] =	sst lr;
	_ =	strace $0xD0000000  }
0x3: {  	_ = 	snop  }
0x4: {  	_ = 	snop  }
0x5: {  	_ = 	snop  }
0x6: {  	_ = 	snop  }
0x7: {  	_ = 	snop  }
__scs_overlays_trampoline_lowered:
0x8: {  	[smem:$0x3FA4] =	sst s0  }
0x9: {  	[smem:$0x3FA5] =	sst s1  }
0xa: {  	[smem:$0x3FA6] =	sst s2  }
0xb: {  	[smem:$0x3FA7] =	sst s3  }
0xc: {  	[smem:$0x3FA8] =	sst s4  }
0xd: {  	[smem:$0x3FA9] =	sst s5  }
0xe: {  	[smem:$0x3FAA] =	sst s6  }
0xf: {  	[smem:$0x3FAB] =	sst s7  }
0x10: {  	[smem:$0x3FAC] =	sst s8  }
0x11: {  	[smem:$0x3FAD] =	sst s9;
	s0 =	simm.s32 @!p0 $0x0  }
0x12: {  	s1 =	sld [smem:$0x3F93];
	s0 =	simm.s32 @p0 $0x1  }
0x13: {  	[smem:$0x3FAE] =	sst s0;
	s0 =	simm.s32 @!p1 $0x0  }
0x14: {  	s2 =	sld [smem:$0x3F92];
	s0 =	simm.s32 @p1 $0x1  }
0x15: {  	[smem:$0x3FAF] =	sst s0;
	s0 =	simm.s32 @!p2 $0x0  }
0x16: {  	s3 =	sld [smem:$0x3FDB];
	s0 =	simm.s32 @p2 $0x1  }
0x17: {  	s4 =	simm.s32 $0x1BF5;
	[smem:$0x3FB1] =	sst s0  }
0x18: {  	s0 =	sld [smem:$0x3F94];
	_ =	swait.ge [sflag:s4], $0x0  }
0x19: {  	s7 =	sld [smem:$0x3F95]  }
0x1a: {  	s8 =	sadd.s32 $0xFFFFE003, lr  }
0x1b: {  	s9 =	sadd.s32 $0xFFFFFEF7, lr;
	s5 =	simm.s32 $0xFFFFFFFF;
	p2 =	slt.u32 s8, $0xFFFFF086  }
0x1c: {  	p1 =	slt.u32 s9, $0xF7A;
	s5 =	simm.s32 @!p2 $0x0  }
0x1d: {  	s5 =	simm.s32 @p1 $0x1;
	p0 =	seq.s32 s7, s2  }
0x1e: {  	s7 =	smul.u32 @!p0 $0xF7A, s2;
	p2 =	seq.s32 @!p0 s5, $0x0  }
0x1f: {  	s9 =	smul.u32 $0xF7A, s1;
	s8 =	simm.s32 @!p0 $0x1BF5;
	p2 =	por !p2, p0  }
0x20: {  	[sflag:s8] =	ssyncset.s32 @!p0 $0xFFFFF086;
	s6 =	sadd.s32 @!p0 s3, s7;
	s7 =	simm.s32 @!p0 $0x108  }
0x21: {  	s3 =	sadd.s32 s3, s9;
	s6 =	sadd.s32 @!p0 $0x88, s6;
	s7 =	simm.s32 @p2 $0x1082  }
0x22: {  	[simem:s7], [sflag:s8] =	dma.local @!p0 [hbm:s6], $0xF7A  }
0x23: {  	s9 =	sor.u32 $0xD0000000, s2;
	s6 =	simm.s32 $0x108;
	_ =	swait.ge @!p0 [sflag:s8], $0x0  }
0x24: {  	s3 =	sadd.s32 $0x88, s3;
	s6 =	simm.s32 @!p1 $0x1082;
	[sflag:s4] =	ssyncset.s32 $0xFFFFF086  }
0x25: {  	[simem:s6], [sflag:s4] =	dma.local [hbm:s3], $0xF7A  }
0x26: {  	[smem:$0x3F95] =	sst s1;
	(tag) =	ssettag s2;
	_ =	strace s9  }
0x27: {  	s1 =	sld [smem:$0x3FA5]  }
0x28: {  	s2 =	sld [smem:$0x3FA6]  }
0x29: {  	s4 =	sld [smem:$0x3FA8]  }
0x2a: {  	p0 =	seq.s32 s5, $0x0;
	s5 =	sld [smem:$0x3FA9]  }
0x2b: {  	s6 =	sld [smem:$0x3FAA]  }
0x2c: {  	s7 =	sld [smem:$0x3FAB]  }
0x2d: {  	s3 =	simm.s32 $0x108;
	s8 =	sld [smem:$0x3FAC]  }
0x2e: {  	s3 =	simm.s32 @!p0 $0x1082;
	s9 =	sld [smem:$0x3FAD]  }
0x2f: {  	lr =	sadd.s32 s0, s3;
	s0 =	sld [smem:$0x3FA4]  }
0x30: {  	s3 =	sld [smem:$0x3FA7]  }
0x31: {  	[smem:$0x3FB0] =	sst s10  }
0x32: {  	s10 =	sld [smem:$0x3FAE];
	_ =	sdelay $0x3  }
0x33: {  	p0 =	seq.s32 s10, $0x1;
	s10 =	sld [smem:$0x3FB0];
	_ =	sdelay $0x3  }
0x34: {  	[smem:$0x3FB0] =	sst s10  }
0x35: {  	s10 =	sld [smem:$0x3FAF];
	_ =	sdelay $0x3  }
0x36: {  	p1 =	seq.s32 s10, $0x1;
	s10 =	sld [smem:$0x3FB0];
	_ =	sdelay $0x3  }
0x37: {  	[smem:$0x3FB0] =	sst s10  }
0x38: {  	s10 =	sld [smem:$0x3FB1]  }
0x39: {  	_ = 	snop;
	(pc) =	sbr.ind lr, $3  }
0x3a: {  	_ = 	snop  }
0x3b: {  	_ = 	snop  }
0x3c: {  	p2 =	seq.s32 s10, $0x1;
	s10 =	sld [smem:$0x3FB0]  }
0x3d: {  	_ =	shalt  }
0x3e: {  	_ =	shalt  }
0x3f: {  	_ =	shalt  }
0x40: {  	_ =	shalt  }
0x41: {  	_ =	shalt  }
0x42: {  	_ =	shalt  }
0x43: {  	_ =	shalt  }
0x44: {  	_ =	shalt  }
0x45: {  	_ =	shalt  }
0x46: {  	_ =	shalt  }
0x47: {  	_ =	shalt  }
0x48: {  	_ =	shalt  }
0x49: {  	_ =	shalt  }
0x4a: {  	_ =	shalt  }
0x4b: {  	_ =	shalt  }
0x4c: {  	_ =	shalt  }
0x4d: {  	_ =	shalt  }
0x4e: {  	_ =	shalt  }
0x4f: {  	_ =	shalt  }
0x50: {  	_ =	shalt  }
0x51: {  	_ =	shalt  }
0x52: {  	_ =	shalt  }
0x53: {  	_ =	shalt  }
0x54: {  	_ =	shalt  }
0x55: {  	_ =	shalt  }
0x56: {  	_ =	shalt  }
0x57: {  	_ =	shalt  }
0x58: {  	_ =	shalt  }
0x59: {  	_ =	shalt  }
0x5a: {  	_ =	shalt  }
0x5b: {  	_ =	shalt  }
0x5c: {  	_ =	shalt  }
0x5d: {  	_ =	shalt  }
0x5e: {  	_ =	shalt  }
0x5f: {  	_ =	shalt  }
0x60: {  	_ =	shalt  }
0x61: {  	_ =	shalt  }
0x62: {  	_ =	shalt  }
0x63: {  	_ =	shalt  }
0x64: {  	_ =	shalt  }
0x65: {  	_ =	shalt  }
0x66: {  	_ =	shalt  }
0x67: {  	_ =	shalt  }
0x68: {  	_ =	shalt  }
0x69: {  	_ =	shalt  }
0x6a: {  	_ =	shalt  }
0x6b: {  	_ =	shalt  }
0x6c: {  	_ =	shalt  }
0x6d: {  	_ =	shalt  }
0x6e: {  	_ =	shalt  }
0x6f: {  	_ =	shalt  }
0x70: {  	_ =	shalt  }
0x71: {  	_ =	shalt  }
0x72: {  	_ =	shalt  }
0x73: {  	_ =	shalt  }
0x74: {  	_ =	shalt  }
0x75: {  	_ =	shalt  }
0x76: {  	_ =	shalt  }
0x77: {  	_ =	shalt  }
0x78: {  	_ =	shalt  }
0x79: {  	_ =	shalt  }
0x7a: {  	_ =	shalt  }
0x7b: {  	_ =	shalt  }
0x7c: {  	_ =	shalt  }
0x7d: {  	_ =	shalt  }
0x7e: {  	_ =	shalt  }
0x7f: {  	_ =	shalt  }
0x80: {  	_ =	shalt  }
0x81: {  	_ =	shalt  }
0x82: {  	_ =	shalt  }
0x83: {  	_ =	shalt  }
0x84: {  	_ =	shalt  }
0x85: {  	_ =	shalt  }
0x86: {  	_ =	shalt  }
0x87: {  	_ =	shalt  }
.Lfunc_end0:
.L_simem_size_0:
called_computation_lowered:
.L_overlay_start_0:
0x88: {  	s2 =	sld [smem:$0x3FD9]  }
0x89: {  	s3 =	sld [smem:$0x3FFE];
	_ =	sdelay $0x1  }
0x8a: {  	s1 =	srdreg.scid  }
0x8b: {  	s0 =	sand.u32 $0x1, s1  }
0x8c: {  	s17 =	sshll.u32 s0, $0xA;
	s2 =	sadd.s32 s3, s2  }
0x8d: {  	s2 =	sadd.s32 s2, s17  }
0x8e: {  	[smem:$0x3FBC] =	sst s2  }
0x8f: {  	_ = 	snop  }
0x90: {  	s2 =	sld [smem:$0x3FD0];
	(tm) =	ssettm $0x1  }
0x91: {  	s18 =	sld [smem:$0x3FFB];
	_ =	sdelay $0x3  }
0x92: {  	_ =	strace s18  }
0x93: {  	s3 =	sld [smem:$0x3FFC];
	_ =	sdelay $0x3  }
0x94: {  	_ =	strace s3  }
0x95: {  	s3 =	sld [smem:$0x3FFD];
	_ =	sdelay $0x3  }
0x96: {  	_ =	strace s3  }
0x97: {  	_ =	strace $0x8FFFFFFF  }
0x98: {  	s19 =	sld [smem:$0x3FDB];
	_ =	sdelay $0x1  }
0x99: {  	s4 =	simm.s32 $_scs_section_size  }
0x9a: {  	s5 =	simm.s32 $_size__tile_overlayer_lowered;
	s6 =	simm.s32 $_tile_overlayer_lowered  }
0x9b: {  	s22 =	simm.s32 $0x1BFF;
	s21 =	sshll.u32 s6, $0x1;
	s3 =	sadd.s32 s4, s19  }
0x9c: {  	s7 =	simm.s32 $0x0;
	s20 =	sshll.u32 s5, $0x1;
	s5 =	sadd.s32 s21, s3  }
0x9d: {  	[timem:s7], [sflag:s22] =	dma.local [hbm:s5], s20  }
0x9e: {  	_ =	swait.ge [sflag:s22], s20  }
0x9f: {  	s4 =	ssub.s32 $0x0, s20;
	[sflag:s22] =	ssyncset.done $0x0  }
0xa0: {  	[sflag:s22] =	ssyncadd.s32 s4;
	_ =	sdelay $0x1  }
0xa1: {  	s23 =	simm.s32 $0x1B8B  }
0xa2: {  	_ =	swait.ge [sflag:s23], $0x1  }
0xa3: {  	[sflag:s23] =	ssyncset.done $0x0  }
0xa4: {  	s25 =	simm.s32 $0x1B8E;
	s24 =	sld [smem:$0x3FFE];
	[sflag:s23] =	ssyncadd.s32 $0xFFFFFFFF  }
0xa5: {  	s26 =	simm.s32 $execute0_lowered;
	[smem:$0x3FD2] =	sst s25  }
0xa6: {  	s5 =	sshll.u32 s26, $0x1;
	_ =	strace $0x80000046;
	[dreg:$0x1] =	wrdreg $0xFFFFFFFF  }
0xa7: {  	s28 =	simm.s32 $_size_execute0_lowered;
	s3 =	sadd.s32 s3, s5;
	[dreg:$0x0] =	wrdreg $0x0  }
0xa8: {  	s5 =	sshll.u32 s28, $0x1;
	[dreg:$0x2] =	wrdreg s3  }
0xa9: {  	[dreg:$0x3] =	wrdreg s5  }
0xaa: {  	[dreg:$0x4] =	wrdreg $0xC0  }
0xab: {  	_ =	task [dreg:s7], $0x5FFFF  }
0xac: {  	[dreg:$0x1] =	wrdreg $0xFFFFFFFF  }
0xad: {  	[dreg:$0x0] =	wrdreg $0x60  }
0xae: {  	[dreg:$0x2] =	wrdreg s2  }
0xaf: {  	[dreg:$0x3] =	wrdreg s24  }
0xb0: {  	[dreg:$0x4] =	wrdreg $0x92000  }
0xb1: {  	[dreg:$0x5] =	wrdreg $0x9  }
0xb2: {  	_ =	task.clear_ibuf [dreg:s7], $0x6FFFF;
	_ =	strace $0x90000046  }
0xb3: {  	s29 =	simm.s32 $0x9;
	_ =	strace $0x80000048  }
0xb4: {  	_ =	swait.ge [sflag:s29], $0x1  }
0xb5: {  	[sflag:s29] =	ssyncadd.s32 $0xFFFFFFFF  }
0xb6: {  	_ =	strace $0x90000048  }
0xb7: {  	_ =	sfence  }
0xb8: {  	s30 =	sld [smem:$0x0];
	_ =	sdelay $0x2  }
0xb9: {  	s31 =	sshll.u32 s1, $0xD;
	s1 =	sshrl.u32 s1, $0x2  }
0xba: {  	s3 =	sand.u32 $0x4000, s31;
	s1 =	sadd.s32 s1, s30  }
0xbb: {  	s0 =	sor.u32 s3, s0;
	s1 =	sshll.u32 s1, $0x11  }
0xbc: {  	s0 =	sor.u32 s1, s0  }
0xbd: {  	s0 =	sadd.s32 $0x8F2B, s0  }
0xbe: {  	[sflag:s0] =	ssyncadd.remote.s32 $0x1  }
0xbf: {  	_ =	sfence.sel $0xFFFF  }
0xc0: {  	[dreg:$0x0] =	wrdreg $0xFFFFFFFF;
	(pc) =	sbr.abs _section_cstart, $3  }
0xc1: {  	[dreg:$0x1] =	wrdreg $0xFFFFFFFF  }
0xc2: {  	_ =	task.clear_ibuf [dreg:s7], $0x2FFFF;
	_ =	strace $0x9FFFFFFF  }
0xc3: {  	(tm) =	ssettm $0x7FFFFFFF  }
tec
execute0_lowered:
.L_overlay_start_1:
0x0: {  	(tag) =	ssettag $0x1  }
0x1: {  	s2 =	rddreg [dreg:$0x0]  }
0x2: {  	s0 =	rddreg [dreg:$0x1]  }
0x3: {  	s3 =	rddreg [dreg:$0x2];
	s11 =	stileid.u32  }
0x4: {  	s4 =	simm.s32 $0x0;
	s1 =	srdreg.scid;
	s28 =	simm.s32 $0x0  }
0x5: {  	s6 =	smul.u32 $0x271, s11;
	[smem:$0x7FF] =	sst s4;
	s1 =	sand.u32 $0x1, s1  }
0x6: {  	s7 =	smul.u32 $0x57E40, s11;
	s5 =	sadd.s32 $0x9D400, s0;
	s0 =	sadd.s32 $0x1000, s0  }
0x7: {  	s22 =	ssub.s32 $0x4F1, s11;
	s11 =	sshll.u32 s11, $0x9;
	s8 =	smul.u32 $0x2710, s1  }
0x8: {  	_ =	strace $0x80000047;
	s9 =	ssub.s32 $0x2, s1;
	s1 =	smul.u32 $0x9C400, s1  }
0x9: {  	s10 =	sshrl.u32 s9, $0x1;
	s7 =	sshrl.u32 s7, $0x2;
	s8 =	sadd.s32 s6, s8  }
0xa: {  	s9 =	ssub.s32 s9, s10;
	s6 =	sadd.s32 s7, s3;
	s10 =	sshrl.u32 s22, $0x4  }
0xb: {  	s14 =	sadd.s32 s1, s11;
	s11 =	simm.s32 $0x40;
	s19 =	smul.u32 $0x90, s8  }
0xc: {  	s31 =	sadd.s32 $0x2400, s6;
	s20 =	sadd.s32 $0x4800, s6;
	[dreg:$0x4] =	wrdreg s6  }
0xd: {  	s21 =	sadd.s32 $0x6C00, s6;
	s8 =	smul.u32 $0x12, s8;
	[dreg:$0x5] =	wrdreg s20  }
0xe: {  	s15 =	smax.u32 s9, $0x1;
	s16 =	sshrl.u32 s14, $0x3;
	[dreg:$0x6] =	wrdreg s21  }
0xf: {  	s17 =	sor.u32 $0x100, s14;
	[dreg:$0x11] =	wrdreg s15;
	s1 =	sadd.s32 s2, s16  }
0x10: {  	s18 =	sshrl.u32 s17, $0x3;
	s20 =	sadd.s32 $0xFFFFFFFF, s10;
	[dreg:$0x12] =	wrdreg s1  }
0x11: {  	s7 =	sshrl.u32 s19, $0x3;
	s1 =	sadd.s32 s2, s18;
	[dreg:$0x14] =	wrdreg s20  }
0x12: {  	s7 =	sadd.s32 s0, s7;
	s0 =	sadd.s32 s0, s8;
	[dreg:$0x13] =	wrdreg s1  }
0x13: {  	s9 =	simm.s32 $0x9180;
	[dreg:$0x7] =	wrdreg s0;
	s23 =	sadd.s32 $0x480, s7  }
0x14: {  	s10 =	simm.s32 $0x9000;
	s24 =	sadd.s32 $0x900, s7;
	[dreg:$0x8] =	wrdreg s23  }
0x15: {  	s15 =	simm.s32 $0x9100;
	s25 =	sadd.s32 $0xD80, s7;
	[dreg:$0x9] =	wrdreg s24  }
0x16: {  	s16 =	simm.s32 $0x9140;
	s26 =	sadd.s32 $0x1200, s7;
	[dreg:$0xa] =	wrdreg s25  }
0x17: {  	s17 =	simm.s32 $0x4800;
	s29 =	sadd.s32 $0x1680, s7;
	[dreg:$0xb] =	wrdreg s26  }
0x18: {  	s19 =	sadd.s32 $0x2100, s14;
	s30 =	sadd.s32 $0x1B00, s7;
	[dreg:$0xc] =	wrdreg s29  }
0x19: {  	s18 =	simm.s32 $0x91C0;
	s8 =	sadd.s32 $0x1F80, s7;
	[dreg:$0xd] =	wrdreg s30  }
0x1a: {  	s20 =	simm.s32 $0x1;
	s12 =	sadd.s32 $0x2400, s7;
	[dreg:$0xe] =	wrdreg s8  }
0x1b: {  	s21 =	sshrl.u32 s19, $0x3;
	s13 =	sadd.s32 $0x2880, s7;
	[dreg:$0xf] =	wrdreg s12  }
0x1c: {  	s1 =	simm.s32 $0x9;
	s0 =	sadd.s32 $0x2000, s14;
	[dreg:$0x10] =	wrdreg s13  }
0x1d: {  	s19 =	simm.s32 $0x6C00;
	s22 =	sadd.s32 s21, s2;
	[dreg:$0x15] =	wrdreg s0  }
0x1e: {  	s14 =	simm.s32 $0x2400;
	[dreg:$0x16] =	wrdreg s22;
	s23 =	sadd.s32 $0x9000, s6  }
0x1f: {  	s21 =	simm.s32 $0x2;
	s24 =	sadd.s32 $0xB400, s6;
	[dreg:$0x17] =	wrdreg s23  }
0x20: {  	s7 =	simm.s32 $0x3;
	s25 =	sadd.s32 $0xD800, s6;
	[dreg:$0x18] =	wrdreg s24  }
0x21: {  	s26 =	sadd.s32 $0xFC00, s6;
	s29 =	sadd.s32 $0x12000, s6;
	[dreg:$0x19] =	wrdreg s25  }
0x22: {  	s30 =	sadd.s32 $0x14400, s6;
	s12 =	simm.s32 $0x9040;
	[dreg:$0x1a] =	wrdreg s26  }
0x23: {  	s13 =	simm.s32 $0x90C0;
	s22 =	simm.s32 $0x9080;
	[dreg:$0x1b] =	wrdreg s29  }
0x24: {  	s8 =	simm.s32 $0x4;
	[dreg:$0x1c] =	wrdreg s30;
	s23 =	simm.s32 $0x5  }
0x25: {  	v0 =	vimm.f32 $0.0e+00;
	s24 =	simm.s32 $0x6;
	s25 =	simm.s32 $0x7;
	s26 =	simm.s32 $0x8  }
.LBB2_1:
0x26: {  	s29 =	simm.s32 $0x0;
	s30 =	simm.s32 $0x240  }
.LBB2_2:
0x27: {  	p0 =	sne.s32 s30, $0x8DC0;
	[tilespmem:s29+$0x80] =	vst v0  }
0x28: {  	[tilespmem:s29+$0x0] =	vst v0  }
0x29: {  	[tilespmem:s29+$0x10] =	vst v0  }
0x2a: {  	[tilespmem:s29+$0x20] =	vst v0  }
.Ltmp0:
0x2b: {  	[tilespmem:s29+$0x30] =	vst v0;
	(pc) =	sbr.rel @p0 .LBB2_2-.Ltmp0, $4  }
0x2c: {  	[tilespmem:s29+$0x40] =	vst v0  }
0x2d: {  	[tilespmem:s29+$0x50] =	vst v0  }
0x2e: {  	[tilespmem:s29+$0x60] =	vst v0  }
0x2f: {  	[tilespmem:s29+$0x70] =	vst v0;
	s29 =	sshra.s32 s30, $0x2;
	s30 =	sadd.s32 $0x240, s30  }
0x30: {  	[tilespmem:s29+$0x80] =	vst v0  }
0x31: {  	[tilespmem:s29+$0x0] =	vst v0  }
0x32: {  	[tilespmem:s29+$0x10] =	vst v0  }
0x33: {  	[tilespmem:s29+$0x20] =	vst v0  }
0x34: {  	[tilespmem:s29+$0x30] =	vst v0  }
0x35: {  	[tilespmem:s29+$0x40] =	vst v0  }
0x36: {  	[tilespmem:s29+$0x50] =	vst v0  }
0x37: {  	[tilespmem:s29+$0x60] =	vst v0  }
0x38: {  	[tilespmem:s29+$0x70] =	vst v0;
	s0 =	rddreg [dreg:$0x4]  }
0x39: {  	[spmem:s0] =	stream.linear.scatter [tilespmem:s4], [sflag:$0x9], $0x2400, $0x38;
	[tilespmem:$0x1F190] =	vst v63  }
0x3a: {  	_ =	swait.ge [sflag:s1], $0x2400  }
0x3b: {  	[sflag:s1] =	ssyncset.done $0x0  }
0x3c: {  	[sflag:s1] =	ssyncadd.s32 $0xFFFFDC00  }
0x3d: {  	[spmem:s31] =	stream.linear.scatter [tilespmem:s4], [sflag:$0x9], $0x2400, $0x38;
	[tilespmem:$0x1F190] =	vst v63  }
0x3e: {  	_ =	swait.ge [sflag:s1], $0x2400  }
0x3f: {  	[sflag:s1] =	ssyncset.done $0x0  }
0x40: {  	s0 =	rddreg [dreg:$0x5];
	[sflag:s1] =	ssyncadd.s32 $0xFFFFDC00  }
0x41: {  	[spmem:s0] =	stream.linear.scatter [tilespmem:s4], [sflag:$0x9], $0x2400, $0x38;
	[tilespmem:$0x1F190] =	vst v63  }
0x42: {  	_ =	swait.ge [sflag:s1], $0x2400  }
0x43: {  	[sflag:s1] =	ssyncset.done $0x0  }
0x44: {  	s0 =	rddreg [dreg:$0x6];
	[sflag:s1] =	ssyncadd.s32 $0xFFFFDC00  }
0x45: {  	[spmem:s0] =	stream.linear.scatter [tilespmem:s4], [sflag:$0x9], $0x2400, $0x38;
	[tilespmem:$0x1F190] =	vst v63  }
0x46: {  	_ =	swait.ge [sflag:s1], $0x2400  }
0x47: {  	[sflag:s1] =	ssyncset.done $0x0  }
0x48: {  	s0 =	rddreg [dreg:$0x17];
	[sflag:s1] =	ssyncadd.s32 $0xFFFFDC00  }
0x49: {  	[spmem:s0] =	stream.linear.scatter [tilespmem:s4], [sflag:$0x9], $0x2400, $0x38;
	[tilespmem:$0x1F190] =	vst v63  }
0x4a: {  	_ =	swait.ge [sflag:s1], $0x2400  }
0x4b: {  	[sflag:s1] =	ssyncset.done $0x0  }
0x4c: {  	s0 =	rddreg [dreg:$0x18];
	[sflag:s1] =	ssyncadd.s32 $0xFFFFDC00  }
0x4d: {  	[spmem:s0] =	stream.linear.scatter [tilespmem:s4], [sflag:$0x9], $0x2400, $0x38;
	[tilespmem:$0x1F190] =	vst v63  }
0x4e: {  	_ =	swait.ge [sflag:s1], $0x2400  }
0x4f: {  	[sflag:s1] =	ssyncset.done $0x0  }
0x50: {  	s0 =	rddreg [dreg:$0x19];
	[sflag:s1] =	ssyncadd.s32 $0xFFFFDC00  }
0x51: {  	[spmem:s0] =	stream.linear.scatter [tilespmem:s4], [sflag:$0x9], $0x2400, $0x38;
	[tilespmem:$0x1F190] =	vst v63  }
0x52: {  	_ =	swait.ge [sflag:s1], $0x2400  }
0x53: {  	[sflag:s1] =	ssyncset.done $0x0  }
0x54: {  	s0 =	rddreg [dreg:$0x1a];
	[sflag:s1] =	ssyncadd.s32 $0xFFFFDC00  }
0x55: {  	[spmem:s0] =	stream.linear.scatter [tilespmem:s4], [sflag:$0x9], $0x2400, $0x38;
	[tilespmem:$0x1F190] =	vst v63  }
0x56: {  	_ =	swait.ge [sflag:s1], $0x2400  }
0x57: {  	[sflag:s1] =	ssyncset.done $0x0  }
0x58: {  	s0 =	rddreg [dreg:$0x1b];
	[sflag:s1] =	ssyncadd.s32 $0xFFFFDC00  }
0x59: {  	[spmem:s0] =	stream.linear.scatter [tilespmem:s4], [sflag:$0x9], $0x2400, $0x38;
	[tilespmem:$0x1F190] =	vst v63  }
0x5a: {  	_ =	swait.ge [sflag:s1], $0x2400  }
0x5b: {  	[sflag:s1] =	ssyncset.done $0x0  }
0x5c: {  	s0 =	rddreg [dreg:$0x1c];
	[sflag:s1] =	ssyncadd.s32 $0xFFFFDC00  }
0x5d: {  	[spmem:s0] =	stream.linear.scatter [tilespmem:s4], [sflag:$0x9], $0x1B90, $0x38;
	[tilespmem:$0x1F190] =	vst v63  }
0x5e: {  	_ =	swait.ge [sflag:s1], $0x1B90  }
0x5f: {  	[sflag:s1] =	ssyncset.done $0x0  }
0x60: {  	[sflag:s1] =	ssyncadd.s32 $0xFFFFE470  }
0x61: {  	[bflag:$0x0] =	sbarrier.arrive $0xFFFF  }
0x62: {  	s0 =	rddreg [dreg:$0x12]  }
0x63: {  	[tilespmem:s10], [sflag:$0x9] =	stream.linear.gather [hbm4b:s0+s4], $0x100, $0x38;
	[tilespmem:$0x1F190] =	vst v63  }
0x64: {  	_ =	swait.ge [sflag:s1], $0x100  }
0x65: {  	[sflag:s1] =	ssyncset.done $0x0  }
0x66: {  	[sflag:s1] =	ssyncadd.s32 $0xFFFFFF00  }
0x67: {  	[tilespmem:s4], [sflag:$0x1] =	stream.indirect.gather [hbm4b:s5+s11], $0x90, s12, s11, $0xb8;
	[tilespmem:$0x1F190] =	vst v63  }
0x68: {  	_ = 	snop  }
0x69: {  	[tilespmem:s14], [sflag:$0x2] =	stream.indirect.gather [hbm4b:s5+s11], $0x90, s13, s11, $0xb8;
	[tilespmem:$0x1F190] =	vst v63  }
0x6a: {  	s0 =	rddreg [dreg:$0x13]  }
0x6b: {  	[tilespmem:s15], [sflag:$0x9] =	stream.linear.gather [hbm4b:s0+s4], $0x100, $0x38;
	[tilespmem:$0x1F190] =	vst v63  }
0x6c: {  	_ =	swait.ge [sflag:s1], $0x100  }
0x6d: {  	[sflag:s1] =	ssyncset.done $0x0  }
0x6e: {  	[sflag:s1] =	ssyncadd.s32 $0xFFFFFF00  }
0x6f: {  	[tilespmem:s17], [sflag:$0x3] =	stream.indirect.gather [hbm4b:s5+s11], $0x90, s16, s11, $0xb8;
	[tilespmem:$0x1F190] =	vst v63  }
0x70: {  	_ = 	snop  }
0x71: {  	[tilespmem:s19], [sflag:$0x4] =	stream.indirect.gather [hbm4b:s5+s11], $0x90, s18, s11, $0xb8;
	[tilespmem:$0x1F190] =	vst v63  }
0x72: {  	_ =	swait.ge [sflag:s20], $0x2400  }
0x73: {  	[sflag:s20] =	ssyncset.done $0x0  }
0x74: {  	[sflag:s20] =	ssyncadd.s32 $0xFFFFDC00  }
0x75: {  	[spmem:s3] =	stream.indirect.scatter.add.f32 [tilespmem:s4], [sflag:$0x5], $0x90, s10, s11, $0xb8;
	[tilespmem:$0x1F190] =	vst v63  }
0x76: {  	_ =	swait.ge [sflag:s21], $0x2400  }
0x77: {  	[sflag:s21] =	ssyncset.done $0x0  }
0x78: {  	[sflag:s21] =	ssyncadd.s32 $0xFFFFDC00  }
0x79: {  	[spmem:s3] =	stream.indirect.scatter.add.f32 [tilespmem:s14], [sflag:$0x6], $0x90, s22, s11, $0xb8;
	[tilespmem:$0x1F190] =	vst v63  }
0x7a: {  	_ =	swait.ge [sflag:s7], $0x2400  }
0x7b: {  	[sflag:s7] =	ssyncset.done $0x0  }
0x7c: {  	[sflag:s7] =	ssyncadd.s32 $0xFFFFDC00  }
0x7d: {  	[spmem:s3] =	stream.indirect.scatter.add.f32 [tilespmem:s17], [sflag:$0x7], $0x90, s15, s11, $0xb8;
	[tilespmem:$0x1F190] =	vst v63  }
0x7e: {  	_ =	swait.ge [sflag:s8], $0x2400  }
0x7f: {  	[sflag:s8] =	ssyncset.done $0x0  }
0x80: {  	[sflag:s8] =	ssyncadd.s32 $0xFFFFDC00  }
0x81: {  	[spmem:s3] =	stream.indirect.scatter.add.f32 [tilespmem:s19], [sflag:$0x8], $0x90, s9, s11, $0xb8;
	[tilespmem:$0x1F190] =	vst v63  }
0x82: {  	_ =	swait.ge [sflag:s23], $0x2400  }
0x83: {  	[sflag:s23] =	ssyncset.done $0x0  }
0x84: {  	[sflag:s23] =	ssyncadd.s32 $0xFFFFDC00  }
0x85: {  	_ =	swait.ge [sflag:s24], $0x2400  }
0x86: {  	s30 =	rddreg [dreg:$0x15]  }
0x87: {  	[sflag:s24] =	ssyncset.done $0x0;
	s29 =	sshrl.u32 s30, $0x3  }
0x88: {  	[sflag:s24] =	ssyncadd.s32 $0xFFFFDC00;
	s29 =	sadd.s32 s2, s29  }
0x89: {  	[tilespmem:s10], [sflag:$0x9] =	stream.linear.gather [hbm4b:s29+s4], $0x100, $0x38;
	[tilespmem:$0x1F190] =	vst v63  }
0x8a: {  	_ =	swait.ge [sflag:s1], $0x100  }
0x8b: {  	[sflag:s1] =	ssyncset.done $0x0  }
0x8c: {  	[sflag:s1] =	ssyncadd.s32 $0xFFFFFF00  }
0x8d: {  	[tilespmem:s4], [sflag:$0x1] =	stream.indirect.gather [hbm4b:s5+s11], $0x90, s12, s11, $0xb8;
	[tilespmem:$0x1F190] =	vst v63  }
0x8e: {  	_ = 	snop  }
0x8f: {  	[tilespmem:s14], [sflag:$0x2] =	stream.indirect.gather [hbm4b:s5+s11], $0x90, s13, s11, $0xb8;
	[tilespmem:$0x1F190] =	vst v63  }
0x90: {  	_ =	swait.ge [sflag:s25], $0x2400  }
0x91: {  	[sflag:s25] =	ssyncset.done $0x0  }
0x92: {  	[sflag:s25] =	ssyncadd.s32 $0xFFFFDC00  }
0x93: {  	_ =	swait.ge [sflag:s26], $0x2400  }
0x94: {  	[sflag:s26] =	ssyncset.done $0x0  }
0x95: {  	s6 =	smov.u32 s31;
	s31 =	rddreg [dreg:$0x16];
	[sflag:s26] =	ssyncadd.s32 $0xFFFFDC00  }
0x96: {  	[tilespmem:s15], [sflag:$0x9] =	stream.linear.gather [hbm4b:s31+s4], $0x100, $0x38;
	[tilespmem:$0x1F190] =	vst v63  }
0x97: {  	_ =	swait.ge [sflag:s1], $0x100  }
0x98: {  	[sflag:s1] =	ssyncset.done $0x0  }
0x99: {  	[sflag:s1] =	ssyncadd.s32 $0xFFFFFF00  }
0x9a: {  	[tilespmem:s17], [sflag:$0x3] =	stream.indirect.gather [hbm4b:s5+s11], $0x90, s16, s11, $0xb8;
	[tilespmem:$0x1F190] =	vst v63  }
0x9b: {  	_ = 	snop  }
0x9c: {  	[tilespmem:s19], [sflag:$0x4] =	stream.indirect.gather [hbm4b:s5+s11], $0x90, s18, s11, $0xb8;
	[tilespmem:$0x1F190] =	vst v63  }
0x9d: {  	_ =	swait.ge [sflag:s20], $0x2400  }
0x9e: {  	[sflag:s20] =	ssyncset.done $0x0  }
0x9f: {  	[sflag:s20] =	ssyncadd.s32 $0xFFFFDC00  }
0xa0: {  	[spmem:s3] =	stream.indirect.scatter.add.f32 [tilespmem:s4], [sflag:$0x5], $0x90, s10, s11, $0xb8;
	[tilespmem:$0x1F190] =	vst v63  }
0xa1: {  	_ =	swait.ge [sflag:s21], $0x2400  }
0xa2: {  	[sflag:s21] =	ssyncset.done $0x0  }
0xa3: {  	[sflag:s21] =	ssyncadd.s32 $0xFFFFDC00  }
0xa4: {  	[spmem:s3] =	stream.indirect.scatter.add.f32 [tilespmem:s14], [sflag:$0x6], $0x90, s22, s11, $0xb8;
	[tilespmem:$0x1F190] =	vst v63  }
0xa5: {  	_ =	swait.ge [sflag:s7], $0x2400  }
0xa6: {  	[sflag:s7] =	ssyncset.done $0x0  }
0xa7: {  	[sflag:s7] =	ssyncadd.s32 $0xFFFFDC00  }
0xa8: {  	[spmem:s3] =	stream.indirect.scatter.add.f32 [tilespmem:s17], [sflag:$0x7], $0x90, s15, s11, $0xb8;
	[tilespmem:$0x1F190] =	vst v63  }
0xa9: {  	_ =	swait.ge [sflag:s8], $0x2400  }
0xaa: {  	s0 =	rddreg [dreg:$0x14]  }
0xab: {  	p0 =	sne.s32 s0, $0x1  }
.Ltmp1:
0xac: {  	_ = 	snop;
	(pc) =	sbr.rel @!p0 .LBB2_5-.Ltmp1, $3  }
0xad: {  	_ =	sdelay $0x1  }
0xae: {  	s30 =	sadd.s32 $0x2000, s30;
	[sflag:s8] =	ssyncset.done $0x0  }
0xaf: {  	s31 =	sadd.s32 $0x400, s31;
	s29 =	sadd.s32 $0xFFFFFFFF, s0;
	[sflag:s8] =	ssyncadd.s32 $0xFFFFDC00  }
.LBB2_4:
0xb0: {  	[spmem:s3] =	stream.indirect.scatter.add.f32 [tilespmem:s19], [sflag:$0x8], $0x90, s9, s11, $0xb8;
	[tilespmem:$0x1F190] =	vst v63  }
0xb1: {  	p0 =	sne.s32 s29, $0x1;
	s29 =	sadd.s32 $0xFFFFFFFF, s29;
	_ =	swait.ge [sflag:s23], $0x2400  }
0xb2: {  	[sflag:s23] =	ssyncset.done $0x0  }
0xb3: {  	[sflag:s23] =	ssyncadd.s32 $0xFFFFDC00  }
0xb4: {  	_ =	swait.ge [sflag:s24], $0x2400  }
0xb5: {  	s0 =	sshrl.u32 s30, $0x3;
	[sflag:s24] =	ssyncset.done $0x0  }
0xb6: {  	s0 =	sadd.s32 s2, s0;
	[sflag:s24] =	ssyncadd.s32 $0xFFFFDC00  }
0xb7: {  	[tilespmem:s10], [sflag:$0x9] =	stream.linear.gather [hbm4b:s0+s4], $0x100, $0x38;
	[tilespmem:$0x1F190] =	vst v63  }
0xb8: {  	_ =	swait.ge [sflag:s1], $0x100  }
0xb9: {  	[sflag:s1] =	ssyncset.done $0x0  }
0xba: {  	[sflag:s1] =	ssyncadd.s32 $0xFFFFFF00  }
0xbb: {  	[tilespmem:s4], [sflag:$0x1] =	stream.indirect.gather [hbm4b:s5+s11], $0x90, s12, s11, $0xb8;
	[tilespmem:$0x1F190] =	vst v63  }
0xbc: {  	_ = 	snop  }
0xbd: {  	[tilespmem:s14], [sflag:$0x2] =	stream.indirect.gather [hbm4b:s5+s11], $0x90, s13, s11, $0xb8;
	[tilespmem:$0x1F190] =	vst v63  }
0xbe: {  	_ =	swait.ge [sflag:s25], $0x2400  }
0xbf: {  	[sflag:s25] =	ssyncset.done $0x0  }
0xc0: {  	[sflag:s25] =	ssyncadd.s32 $0xFFFFDC00  }
0xc1: {  	_ =	swait.ge [sflag:s26], $0x2400  }
0xc2: {  	[sflag:s26] =	ssyncset.done $0x0  }
0xc3: {  	[sflag:s26] =	ssyncadd.s32 $0xFFFFDC00  }
0xc4: {  	[tilespmem:s15], [sflag:$0x9] =	stream.linear.gather [hbm4b:s31+s4], $0x100, $0x38;
	[tilespmem:$0x1F190] =	vst v63  }
0xc5: {  	_ =	swait.ge [sflag:s1], $0x100  }
0xc6: {  	[sflag:s1] =	ssyncset.done $0x0  }
0xc7: {  	[sflag:s1] =	ssyncadd.s32 $0xFFFFFF00  }
0xc8: {  	[tilespmem:s17], [sflag:$0x3] =	stream.indirect.gather [hbm4b:s5+s11], $0x90, s16, s11, $0xb8;
	[tilespmem:$0x1F190] =	vst v63  }
0xc9: {  	_ = 	snop  }
0xca: {  	[tilespmem:s19], [sflag:$0x4] =	stream.indirect.gather [hbm4b:s5+s11], $0x90, s18, s11, $0xb8;
	[tilespmem:$0x1F190] =	vst v63  }
0xcb: {  	_ =	swait.ge [sflag:s20], $0x2400  }
0xcc: {  	[sflag:s20] =	ssyncset.done $0x0  }
0xcd: {  	[sflag:s20] =	ssyncadd.s32 $0xFFFFDC00  }
0xce: {  	[spmem:s3] =	stream.indirect.scatter.add.f32 [tilespmem:s4], [sflag:$0x5], $0x90, s10, s11, $0xb8;
	[tilespmem:$0x1F190] =	vst v63  }
0xcf: {  	_ =	swait.ge [sflag:s21], $0x2400  }
0xd0: {  	[sflag:s21] =	ssyncset.done $0x0  }
0xd1: {  	[sflag:s21] =	ssyncadd.s32 $0xFFFFDC00  }
0xd2: {  	[spmem:s3] =	stream.indirect.scatter.add.f32 [tilespmem:s14], [sflag:$0x6], $0x90, s22, s11, $0xb8;
	[tilespmem:$0x1F190] =	vst v63  }
0xd3: {  	_ =	swait.ge [sflag:s7], $0x2400  }
0xd4: {  	[sflag:s7] =	ssyncset.done $0x0  }
.Ltmp2:
0xd5: {  	[sflag:s7] =	ssyncadd.s32 $0xFFFFDC00;
	(pc) =	sbr.rel @p0 .LBB2_4-.Ltmp2, $4  }
0xd6: {  	[spmem:s3] =	stream.indirect.scatter.add.f32 [tilespmem:s17], [sflag:$0x7], $0x90, s15, s11, $0xb8;
	[tilespmem:$0x1F190] =	vst v63  }
0xd7: {  	_ =	swait.ge [sflag:s8], $0x2400  }
0xd8: {  	[sflag:s8] =	ssyncset.done $0x0  }
0xd9: {  	s30 =	sadd.s32 $0x2000, s30;
	s31 =	sadd.s32 $0x400, s31;
	[sflag:s8] =	ssyncadd.s32 $0xFFFFDC00  }
.LBB2_5:
0xda: {  	[spmem:s3] =	stream.indirect.scatter.add.f32 [tilespmem:s19], [sflag:$0x8], $0x90, s9, s11, $0xb8;
	[tilespmem:$0x1F190] =	vst v63  }
0xdb: {  	_ =	swait.ge [sflag:s23], $0x2400  }
0xdc: {  	[sflag:s23] =	ssyncset.done $0x0  }
0xdd: {  	[sflag:s23] =	ssyncadd.s32 $0xFFFFDC00  }
0xde: {  	_ =	swait.ge [sflag:s24], $0x2400  }
0xdf: {  	[sflag:s24] =	ssyncset.done $0x0  }
0xe0: {  	[sflag:s24] =	ssyncadd.s32 $0xFFFFDC00  }
0xe1: {  	_ =	swait.ge [sflag:s25], $0x2400  }
0xe2: {  	[sflag:s25] =	ssyncset.done $0x0  }
0xe3: {  	[sflag:s25] =	ssyncadd.s32 $0xFFFFDC00  }
0xe4: {  	_ =	swait.ge [sflag:s26], $0x2400  }
0xe5: {  	[sflag:s26] =	ssyncset.done $0x0  }
0xe6: {  	[sflag:s26] =	ssyncadd.s32 $0xFFFFDC00  }
0xe7: {  	s0 =	stileid.u32;
	[bflag:$0x0] =	sbarrier.arrive $0xFFFF  }
0xe8: {  	s0 =	sshll.u32 s0, $0x6;
	s29 =	rddreg [dreg:$0x4]  }
0xe9: {  	s0 =	sor.u32 $0x1C09, s0;
	s30 =	rddreg [dreg:$0x7];
	s29 =	sshrl.u32 s29, $0x3  }
0xea: {  	[hbm:s30], [sflag:s0] =	dma.local [spmem:s29], $0x480  }
0xeb: {  	_ =	swait.ge [sflag:s1], $0x480  }
0xec: {  	s31 =	smov.u32 s6;
	[sflag:s1] =	ssyncset.done $0x0  }
0xed: {  	s6 =	sshrl.u32 s6, $0x3;
	s30 =	rddreg [dreg:$0x8];
	[sflag:s1] =	ssyncadd.s32 $0xFFFFFB80  }
0xee: {  	[hbm:s30], [sflag:s0] =	dma.local [spmem:s6], $0x480  }
0xef: {  	_ =	swait.ge [sflag:s1], $0x480  }
0xf0: {  	[sflag:s1] =	ssyncset.done $0x0;
	s30 =	rddreg [dreg:$0x5]  }
0xf1: {  	[sflag:s1] =	ssyncadd.s32 $0xFFFFFB80;
	s6 =	sshrl.u32 s30, $0x3;
	s30 =	rddreg [dreg:$0x9]  }
0xf2: {  	[hbm:s30], [sflag:s0] =	dma.local [spmem:s6], $0x480  }
0xf3: {  	_ =	swait.ge [sflag:s1], $0x480  }
0xf4: {  	[sflag:s1] =	ssyncset.done $0x0;
	s30 =	rddreg [dreg:$0x6]  }
0xf5: {  	[sflag:s1] =	ssyncadd.s32 $0xFFFFFB80;
	s6 =	sshrl.u32 s30, $0x3;
	s30 =	rddreg [dreg:$0xa]  }
0xf6: {  	[hbm:s30], [sflag:s0] =	dma.local [spmem:s6], $0x480  }
0xf7: {  	_ =	swait.ge [sflag:s1], $0x480  }
0xf8: {  	[sflag:s1] =	ssyncset.done $0x0;
	s30 =	rddreg [dreg:$0x17]  }
0xf9: {  	[sflag:s1] =	ssyncadd.s32 $0xFFFFFB80;
	s6 =	sshrl.u32 s30, $0x3;
	s30 =	rddreg [dreg:$0xb]  }
0xfa: {  	[hbm:s30], [sflag:s0] =	dma.local [spmem:s6], $0x480  }
0xfb: {  	_ =	swait.ge [sflag:s1], $0x480  }
0xfc: {  	[sflag:s1] =	ssyncset.done $0x0;
	s30 =	rddreg [dreg:$0x18]  }
0xfd: {  	[sflag:s1] =	ssyncadd.s32 $0xFFFFFB80;
	s6 =	sshrl.u32 s30, $0x3;
	s30 =	rddreg [dreg:$0xc]  }
0xfe: {  	[hbm:s30], [sflag:s0] =	dma.local [spmem:s6], $0x480  }
0xff: {  	_ =	swait.ge [sflag:s1], $0x480  }
0x100: {  	[sflag:s1] =	ssyncset.done $0x0;
	s30 =	rddreg [dreg:$0x19]  }
0x101: {  	[sflag:s1] =	ssyncadd.s32 $0xFFFFFB80;
	s6 =	sshrl.u32 s30, $0x3;
	s30 =	rddreg [dreg:$0xd]  }
0x102: {  	[hbm:s30], [sflag:s0] =	dma.local [spmem:s6], $0x480  }
0x103: {  	_ =	swait.ge [sflag:s1], $0x480  }
0x104: {  	[sflag:s1] =	ssyncset.done $0x0;
	s30 =	rddreg [dreg:$0x1a]  }
0x105: {  	[sflag:s1] =	ssyncadd.s32 $0xFFFFFB80;
	s6 =	sshrl.u32 s30, $0x3;
	s30 =	rddreg [dreg:$0xe]  }
0x106: {  	[hbm:s30], [sflag:s0] =	dma.local [spmem:s6], $0x480  }
0x107: {  	_ =	swait.ge [sflag:s1], $0x480  }
0x108: {  	[sflag:s1] =	ssyncset.done $0x0;
	s30 =	rddreg [dreg:$0x1b]  }
0x109: {  	[sflag:s1] =	ssyncadd.s32 $0xFFFFFB80;
	s6 =	sshrl.u32 s30, $0x3;
	s30 =	rddreg [dreg:$0xf]  }
0x10a: {  	[hbm:s30], [sflag:s0] =	dma.local [spmem:s6], $0x480  }
0x10b: {  	_ =	swait.ge [sflag:s1], $0x480  }
0x10c: {  	[sflag:s1] =	ssyncset.done $0x0;
	s30 =	rddreg [dreg:$0x1c]  }
0x10d: {  	[sflag:s1] =	ssyncadd.s32 $0xFFFFFB80;
	s6 =	sshrl.u32 s30, $0x3;
	s30 =	rddreg [dreg:$0x10]  }
0x10e: {  	[hbm:s30], [sflag:s0] =	dma.local [spmem:s6], $0x372  }
0x10f: {  	_ =	swait.ge [sflag:s1], $0x372  }
0x110: {  	s28 =	sadd.s32 $0x1, s28;
	s30 =	rddreg [dreg:$0x11]  }
0x111: {  	p0 =	sne.s32 s28, s30  }
.Ltmp3:
0x112: {  	_ = 	snop;
	(pc) =	sbr.rel @p0 .LBB2_1-.Ltmp3, $3  }
0x113: {  	_ =	sdelay $0x1  }
0x114: {  	[sflag:s1] =	ssyncset.done $0x0  }
0x115: {  	[sflag:s1] =	ssyncadd.s32 $0xFFFFFC8E  }
0x116: {  	_ =	sfence.sel $0x180000  }
0x117: {  	[bflag:$0x0] =	sbarrier.arrive $0xFFFF  }
0x118: {  	_ =	strace $0x90000047  }
0x119: {  	s0 =	stileid.u32;
	[bflag:$0x2] =	sbarrier.arrive $0xFFFF  }
0x11a: {  	p0 =	sne.s32 s0, $0x0;
	s0 =	rddreg [dreg:$0x3]  }
0x11b: {  	s0 =	sadd.s32 @!p0 $0x100000, s0  }
0x11c: {  	[sflag:s0] =	ssyncadd.tile.s32 @!p0 $0x1;
	_ =	shalt  }
.Lfunc_end2:
_tile_overlayer_lowered:
.L_overlay_start_2:
0x11d: {  	(tag) =	ssettag $0x2  }
0x11e: {  	s0 =	rddreg [dreg:$0x0];
	s2 =	stileid.u32  }
0x11f: {  	s1 =	rddreg [dreg:$0x1];
	p0 =	sne.s32 s2, $0x0  }
0x120: {  	s3 =	rddreg [dreg:$0x2];
	[bflag:$0x3] =	sbarrier.arrive $0xFFFF;
	s2 =	simm.s32 @!p0 $0x1C09  }
0x121: {  	[timem:s3], [sflag:s2] =	dma.local @!p0 [hbm:s0], s1  }
0x122: {  	s0 =	simm.s32 @!p0 $0x9  }
0x123: {  	_ =	swait.ge @!p0 [sflag:s0], s1  }
0x124: {  	s1 =	ssub.s32 @!p0 $0x0, s1;
	[sflag:s0] =	ssyncset.done @!p0 $0x0  }
0x125: {  	[sflag:s0] =	ssyncadd.s32 @!p0 s1  }
0x126: {  	[bflag:$0x3] =	sbarrier.arrive $0xFFFF  }
0x127: {  	_ =	shalt  }

</sc_bundles>
